<compile_context>
chip_gen: v7x
topology: tpu7x:2x2x1
jax: 0.10.2.dev20260603
libtpu: 0.0.44.dev20260713+nightly
codegen_flags: <defaults>
</compile_context>

<pallas_src>
import jax
import jax.numpy as jnp
from jax import lax
from jax.experimental import pallas as pl
from jax.experimental.pallas import tpu as pltpu
from jax.experimental.pallas import tpu_sc as plsc

EMBED_DIM = 16
BATCH = 16384
VOCAB_ROWS = 1000000

S1_COLS = 102400
S1_ROWS = S1_COLS // 128
S1_GRID = 10
SCORE_ROWS = S1_GRID * S1_ROWS

NUM_CORES = 2
NUM_SUBCORES = 16
NUM_WORKERS = NUM_CORES * NUM_SUBCORES
BPW = BATCH // NUM_WORKERS
GROUPS = BPW // 16
IDX_TILES = BPW // 128


def _tc_dense_body(w_ref, b_ref, t_ref, o_ref):
    acc = jnp.full((S1_ROWS, 128), b_ref[0], jnp.float32)
    for d in range(EMBED_DIM):
        acc = acc + t_ref[d, :].reshape(S1_ROWS, 128) * w_ref[0, d]
    o_ref[...] = acc


def _sc_gather_body(x_hbm, scores_hbm, out_hbm,
                    idx_v, idx_s, rows_v, out_v, sem):
    wid = lax.axis_index("s") * NUM_CORES + lax.axis_index("c")

    pltpu.sync_copy(x_hbm.at[pl.ds(wid * IDX_TILES, IDX_TILES)], idx_v)
    for t in range(IDX_TILES):
        for u in range(8):
            seg = idx_v[t, pl.ds(u * 16, 16)]
            idx_s[t, pl.ds(u * 16, 16)] = seg >> 7

    copies = [
        pltpu.async_copy(
            scores_hbm.at[idx_s.at[j]],
            rows_v.at[pl.ds(j * 128, 128)], sem)
        for j in range(IDX_TILES)
    ]
    for c in copies:
        c.wait()

    iota = lax.iota(jnp.int32, 16)

    def group(c, carry):
        t = c // 8
        u = c - t * 8
        sub = idx_v[t, pl.ds(u * 16, 16)] & 127
        row_ids = c * 16 + iota
        out_v[pl.ds(c * 16, 16)] = plsc.load_gather(rows_v, [row_ids, sub])
        return carry

    lax.fori_loop(0, GROUPS, group, 0)
    pltpu.sync_copy(out_v, out_hbm.at[pl.ds(wid * BPW, BPW)])


@jax.jit
def kernel(x, table, W, b):
    table_t = table.T
    x32 = x.astype(jnp.int32).reshape(BATCH // 128, 128)

    scores = pl.pallas_call(
        _tc_dense_body,
        grid=(S1_GRID,),
        in_specs=[
            pl.BlockSpec(memory_space=pltpu.SMEM),
            pl.BlockSpec(memory_space=pltpu.SMEM),
            pl.BlockSpec((EMBED_DIM, S1_COLS), lambda k: (0, k)),
        ],
        out_specs=pl.BlockSpec((S1_ROWS, 128), lambda k: (k, 0)),
        out_shape=jax.ShapeDtypeStruct((SCORE_ROWS, 128), jnp.float32),
    )(W, b, table_t)

    mesh = plsc.VectorSubcoreMesh(
        core_axis_name="c", subcore_axis_name="s",
        num_cores=NUM_CORES, num_subcores=NUM_SUBCORES)
    run = pl.kernel(
        _sc_gather_body,
        mesh=mesh,
        out_type=jax.ShapeDtypeStruct((BATCH,), jnp.float32),
        scratch_types=[
            pltpu.VMEM((IDX_TILES, 128), jnp.int32),
            pltpu.VMEM((IDX_TILES, 128), jnp.int32),
            pltpu.VMEM((BPW, 128), jnp.float32),
            pltpu.VMEM((BPW,), jnp.float32),
            pltpu.SemaphoreType.DMA,
        ],
        compiler_params=pltpu.CompilerParams(
            needs_layout_passes=False, use_tc_tiling_on_sc=True),
    )
    return run(x32, scores)

# --- scband reference (transcript-rebuilt; emitter-appended) ---
"""Pipeline reference for scband-word-scorer-5695126634870 (READ-ONLY COPY).

The authoritative reference and input builder live on the scoring server;
editing this copy changes nothing except your own understanding.
"""

import jax, jax.numpy as jnp
import numpy as np

VOCAB = 1000000
EMBED_DIM = 16
BATCH = 16384

def setup_inputs(seed: int = 0) -> dict:
    key = jax.random.key(seed)
    k1, k2, k3, k4 = jax.random.split(key, 4)
    x = jax.random.randint(k1, (BATCH,), 0, VOCAB, dtype=jnp.int64) if jax.config.jax_enable_x64 else jax.random.randint(k1, (BATCH,), 0, VOCAB, dtype=jnp.int32)
    table = jax.random.normal(k2, (VOCAB, EMBED_DIM), dtype=jnp.float32)
    # nn.Linear(EMBED_DIM, 1): weight [1, EMBED_DIM], bias [1]
    bound = 1.0 / np.sqrt(EMBED_DIM)
    W = jax.random.uniform(k3, (1, EMBED_DIM), minval=-bound, maxval=bound, dtype=jnp.float32)
    b = jax.random.uniform(k4, (1,), minval=-bound, maxval=bound, dtype=jnp.float32)
    return {"x": x, "table": table, "W": W, "b": b}

def reference(x, table, W, b):
    # emb = self.emb(x)  -> gather rows from embedding table
    emb = jnp.take(table, x, axis=0)            # [B, EMBED_DIM]
    # scores = self.linear(emb).squeeze(1)
    scores = emb @ W.T + b                       # [B, 1]
    scores = jnp.squeeze(scores, axis=1)         # [B]
    return scores

if __name__ == "__main__":
    import jax
    _d = setup_inputs()
    print(jax.jit(kernel)(*tuple(_d.values())))

</pallas_src>

<mosaic_0001>
#map = affine_map<(d0, d1) -> (0, 0)>
#map1 = affine_map<(d0, d1) -> (0)>
module attributes {stable_mosaic.version = 14 : i64} {
  func.func @_sc_gather_body(%arg0: i32, %arg1: i32, %arg2: memref<128x128xi32, #tpu.memory_space<hbm>>, %arg3: memref<8000x128xf32, #tpu.memory_space<hbm>>, %arg4: memref<16384xf32, #tpu.memory_space<hbm>>, %arg5: memref<4x128xi32, #tpu.memory_space<vmem>>, %arg6: memref<4x128xi32, #tpu.memory_space<vmem>>, %arg7: memref<512x128xf32, #tpu.memory_space<vmem>>, %arg8: memref<512xf32, #tpu.memory_space<vmem>>, %arg9: memref<!tpu.dma_semaphore, #tpu.memory_space<semaphore_mem>>) attributes {dimension_semantics = [#tpu.dimension_semantics<core_parallel>, #tpu.dimension_semantics<subcore_parallel>], iteration_bounds = array<i64: 2, 16>, scalar_prefetch = 0 : i64, scratch_operands = 5 : i64, tpu.core_type = #tpu.core_type<sc_vector_subcore>, window_params = [{transform_indices = #map}, {transform_indices = #map}, {transform_indices = #map1}]} {
    %mul3A = arith.constant 2 : i32
    %mul3A_0 = arith.muli %arg1, %mul3A : i32
    %add3A = arith.addi %mul3A_0, %arg0 : i32
    %mul3A_1 = arith.constant 4 : i32
    %mul3A_2 = arith.muli %add3A, %mul3A_1 : i32
    "tpu.region"() ({
      %run_scoped3A = tpu.sem_alloc : memref<!tpu.dma_semaphore, #tpu.memory_space<semaphore_mem>>
      %dma_start3A_437 = arith.constant 0 : i32
      %dma_start3A_438 = tpu.memref_slice %arg2[%mul3A_2, %dma_start3A_437] : memref<128x128xi32, #tpu.memory_space<hbm>> -> memref<4x128xi32, #tpu.memory_space<hbm>>
      %dma_start3A_439 = arith.constant 0 : i32
      %dma_start3A_440 = tpu.memref_slice %arg2[%mul3A_2, %dma_start3A_439] : memref<128x128xi32, #tpu.memory_space<hbm>> -> memref<4x128xi32, #tpu.memory_space<hbm>>
      tpu.enqueue_dma source(%dma_start3A_440 : memref<4x128xi32, #tpu.memory_space<hbm>>) target(%arg5 : memref<4x128xi32, #tpu.memory_space<vmem>>) target_semaphore(%run_scoped3A : memref<!tpu.dma_semaphore, #tpu.memory_space<semaphore_mem>>)
      %dma_wait3A_441 = arith.constant 0 : i32
      %dma_wait3A_442 = tpu.memref_slice %arg2[%mul3A_2, %dma_wait3A_441] : memref<128x128xi32, #tpu.memory_space<hbm>> -> memref<4x128xi32, #tpu.memory_space<hbm>>
      %dma_wait3A_443 = arith.constant 0 : i32
      %dma_wait3A_444 = tpu.memref_slice %arg2[%mul3A_2, %dma_wait3A_443] : memref<128x128xi32, #tpu.memory_space<hbm>> -> memref<4x128xi32, #tpu.memory_space<hbm>>
      tpu.wait_dma2 semaphore(%run_scoped3A : memref<!tpu.dma_semaphore, #tpu.memory_space<semaphore_mem>>) src(%dma_wait3A_444 : memref<4x128xi32, #tpu.memory_space<hbm>>) dst(%arg5 : memref<4x128xi32, #tpu.memory_space<vmem>>)
      tpu.yield
    }) : () -> ()
    %get3A = arith.constant 0 : i32
    %get3A_3 = arith.index_cast %get3A : i32 to index
    %get3A_4 = arith.constant 0 : index
    %get3A_5 = tpu.vector_load %arg5[%get3A_3, %get3A_4] {strides = array<i32>} : memref<4x128xi32, #tpu.memory_space<vmem>>, vector<16xi32>,
    %shift_right_arithmetic3A = arith.constant 7 : i32
    %shift_right_arithmetic3A_6 = vector.broadcast %shift_right_arithmetic3A : i32 to vector<16xi32>
    %shift_right_arithmetic3A_7 = arith.shrsi %get3A_5, %shift_right_arithmetic3A_6 : vector<16xi32>
    %swap3A = arith.constant 0 : i32
    %swap3A_8 = arith.index_cast %swap3A : i32 to index
    %swap3A_9 = arith.constant 0 : index
    %swap3A_10 = tpu.vector_load %arg6[%swap3A_8, %swap3A_9] {strides = array<i32>} : memref<4x128xi32, #tpu.memory_space<vmem>>, vector<16xi32>,
    tpu.vector_store %arg6[%swap3A_8, %swap3A_9], %shift_right_arithmetic3A_7 {strides = array<i32>} : memref<4x128xi32, #tpu.memory_space<vmem>>, vector<16xi32>,
    %get3A_11 = arith.constant 0 : i32
    %get3A_12 = arith.index_cast %get3A_11 : i32 to index
    %get3A_13 = arith.constant 16 : index
    %get3A_14 = tpu.vector_load %arg5[%get3A_12, %get3A_13] {strides = array<i32>} : memref<4x128xi32, #tpu.memory_space<vmem>>, vector<16xi32>,
    %shift_right_arithmetic3A_15 = arith.constant 7 : i32
    %shift_right_arithmetic3A_16 = vector.broadcast %shift_right_arithmetic3A_15 : i32 to vector<16xi32>
    %shift_right_arithmetic3A_17 = arith.shrsi %get3A_14, %shift_right_arithmetic3A_16 : vector<16xi32>
    %swap3A_18 = arith.constant 0 : i32
    %swap3A_19 = arith.index_cast %swap3A_18 : i32 to index
    %swap3A_20 = arith.constant 16 : index
    %swap3A_21 = tpu.vector_load %arg6[%swap3A_19, %swap3A_20] {strides = array<i32>} : memref<4x128xi32, #tpu.memory_space<vmem>>, vector<16xi32>,
    tpu.vector_store %arg6[%swap3A_19, %swap3A_20], %shift_right_arithmetic3A_17 {strides = array<i32>} : memref<4x128xi32, #tpu.memory_space<vmem>>, vector<16xi32>,
    %get3A_22 = arith.constant 0 : i32
    %get3A_23 = arith.index_cast %get3A_22 : i32 to index
    %get3A_24 = arith.constant 32 : index
    %get3A_25 = tpu.vector_load %arg5[%get3A_23, %get3A_24] {strides = array<i32>} : memref<4x128xi32, #tpu.memory_space<vmem>>, vector<16xi32>,
    %shift_right_arithmetic3A_26 = arith.constant 7 : i32
    %shift_right_arithmetic3A_27 = vector.broadcast %shift_right_arithmetic3A_26 : i32 to vector<16xi32>
    %shift_right_arithmetic3A_28 = arith.shrsi %get3A_25, %shift_right_arithmetic3A_27 : vector<16xi32>
    %swap3A_29 = arith.constant 0 : i32
    %swap3A_30 = arith.index_cast %swap3A_29 : i32 to index
    %swap3A_31 = arith.constant 32 : index
    %swap3A_32 = tpu.vector_load %arg6[%swap3A_30, %swap3A_31] {strides = array<i32>} : memref<4x128xi32, #tpu.memory_space<vmem>>, vector<16xi32>,
    tpu.vector_store %arg6[%swap3A_30, %swap3A_31], %shift_right_arithmetic3A_28 {strides = array<i32>} : memref<4x128xi32, #tpu.memory_space<vmem>>, vector<16xi32>,
    %get3A_33 = arith.constant 0 : i32
    %get3A_34 = arith.index_cast %get3A_33 : i32 to index
    %get3A_35 = arith.constant 48 : index
    %get3A_36 = tpu.vector_load %arg5[%get3A_34, %get3A_35] {strides = array<i32>} : memref<4x128xi32, #tpu.memory_space<vmem>>, vector<16xi32>,
    %shift_right_arithmetic3A_37 = arith.constant 7 : i32
    %shift_right_arithmetic3A_38 = vector.broadcast %shift_right_arithmetic3A_37 : i32 to vector<16xi32>
    %shift_right_arithmetic3A_39 = arith.shrsi %get3A_36, %shift_right_arithmetic3A_38 : vector<16xi32>
    %swap3A_40 = arith.constant 0 : i32
    %swap3A_41 = arith.index_cast %swap3A_40 : i32 to index
    %swap3A_42 = arith.constant 48 : index
    %swap3A_43 = tpu.vector_load %arg6[%swap3A_41, %swap3A_42] {strides = array<i32>} : memref<4x128xi32, #tpu.memory_space<vmem>>, vector<16xi32>,
    tpu.vector_store %arg6[%swap3A_41, %swap3A_42], %shift_right_arithmetic3A_39 {strides = array<i32>} : memref<4x128xi32, #tpu.memory_space<vmem>>, vector<16xi32>,
    %get3A_44 = arith.constant 0 : i32
    %get3A_45 = arith.index_cast %get3A_44 : i32 to index
    %get3A_46 = arith.constant 64 : index
    %get3A_47 = tpu.vector_load %arg5[%get3A_45, %get3A_46] {strides = array<i32>} : memref<4x128xi32, #tpu.memory_space<vmem>>, vector<16xi32>,
    %shift_right_arithmetic3A_48 = arith.constant 7 : i32
    %shift_right_arithmetic3A_49 = vector.broadcast %shift_right_arithmetic3A_48 : i32 to vector<16xi32>
    %shift_right_arithmetic3A_50 = arith.shrsi %get3A_47, %shift_right_arithmetic3A_49 : vector<16xi32>
    %swap3A_51 = arith.constant 0 : i32
    %swap3A_52 = arith.index_cast %swap3A_51 : i32 to index
    %swap3A_53 = arith.constant 64 : index
    %swap3A_54 = tpu.vector_load %arg6[%swap3A_52, %swap3A_53] {strides = array<i32>} : memref<4x128xi32, #tpu.memory_space<vmem>>, vector<16xi32>,
    tpu.vector_store %arg6[%swap3A_52, %swap3A_53], %shift_right_arithmetic3A_50 {strides = array<i32>} : memref<4x128xi32, #tpu.memory_space<vmem>>, vector<16xi32>,
    %get3A_55 = arith.constant 0 : i32
    %get3A_56 = arith.index_cast %get3A_55 : i32 to index
    %get3A_57 = arith.constant 80 : index
    %get3A_58 = tpu.vector_load %arg5[%get3A_56, %get3A_57] {strides = array<i32>} : memref<4x128xi32, #tpu.memory_space<vmem>>, vector<16xi32>,
    %shift_right_arithmetic3A_59 = arith.constant 7 : i32
    %shift_right_arithmetic3A_60 = vector.broadcast %shift_right_arithmetic3A_59 : i32 to vector<16xi32>
    %shift_right_arithmetic3A_61 = arith.shrsi %get3A_58, %shift_right_arithmetic3A_60 : vector<16xi32>
    %swap3A_62 = arith.constant 0 : i32
    %swap3A_63 = arith.index_cast %swap3A_62 : i32 to index
    %swap3A_64 = arith.constant 80 : index
    %swap3A_65 = tpu.vector_load %arg6[%swap3A_63, %swap3A_64] {strides = array<i32>} : memref<4x128xi32, #tpu.memory_space<vmem>>, vector<16xi32>,
    tpu.vector_store %arg6[%swap3A_63, %swap3A_64], %shift_right_arithmetic3A_61 {strides = array<i32>} : memref<4x128xi32, #tpu.memory_space<vmem>>, vector<16xi32>,
    %get3A_66 = arith.constant 0 : i32
    %get3A_67 = arith.index_cast %get3A_66 : i32 to index
    %get3A_68 = arith.constant 96 : index
    %get3A_69 = tpu.vector_load %arg5[%get3A_67, %get3A_68] {strides = array<i32>} : memref<4x128xi32, #tpu.memory_space<vmem>>, vector<16xi32>,
    %shift_right_arithmetic3A_70 = arith.constant 7 : i32
    %shift_right_arithmetic3A_71 = vector.broadcast %shift_right_arithmetic3A_70 : i32 to vector<16xi32>
    %shift_right_arithmetic3A_72 = arith.shrsi %get3A_69, %shift_right_arithmetic3A_71 : vector<16xi32>
    %swap3A_73 = arith.constant 0 : i32
    %swap3A_74 = arith.index_cast %swap3A_73 : i32 to index
    %swap3A_75 = arith.constant 96 : index
    %swap3A_76 = tpu.vector_load %arg6[%swap3A_74, %swap3A_75] {strides = array<i32>} : memref<4x128xi32, #tpu.memory_space<vmem>>, vector<16xi32>,
    tpu.vector_store %arg6[%swap3A_74, %swap3A_75], %shift_right_arithmetic3A_72 {strides = array<i32>} : memref<4x128xi32, #tpu.memory_space<vmem>>, vector<16xi32>,
    %get3A_77 = arith.constant 0 : i32
    %get3A_78 = arith.index_cast %get3A_77 : i32 to index
    %get3A_79 = arith.constant 112 : index
    %get3A_80 = tpu.vector_load %arg5[%get3A_78, %get3A_79] {strides = array<i32>} : memref<4x128xi32, #tpu.memory_space<vmem>>, vector<16xi32>,
    %shift_right_arithmetic3A_81 = arith.constant 7 : i32
    %shift_right_arithmetic3A_82 = vector.broadcast %shift_right_arithmetic3A_81 : i32 to vector<16xi32>
    %shift_right_arithmetic3A_83 = arith.shrsi %get3A_80, %shift_right_arithmetic3A_82 : vector<16xi32>
    %swap3A_84 = arith.constant 0 : i32
    %swap3A_85 = arith.index_cast %swap3A_84 : i32 to index
    %swap3A_86 = arith.constant 112 : index
    %swap3A_87 = tpu.vector_load %arg6[%swap3A_85, %swap3A_86] {strides = array<i32>} : memref<4x128xi32, #tpu.memory_space<vmem>>, vector<16xi32>,
    tpu.vector_store %arg6[%swap3A_85, %swap3A_86], %shift_right_arithmetic3A_83 {strides = array<i32>} : memref<4x128xi32, #tpu.memory_space<vmem>>, vector<16xi32>,
    %get3A_88 = arith.constant 1 : i32
    %get3A_89 = arith.index_cast %get3A_88 : i32 to index
    %get3A_90 = arith.constant 0 : index
    %get3A_91 = tpu.vector_load %arg5[%get3A_89, %get3A_90] {strides = array<i32>} : memref<4x128xi32, #tpu.memory_space<vmem>>, vector<16xi32>,
    %shift_right_arithmetic3A_92 = arith.constant 7 : i32
    %shift_right_arithmetic3A_93 = vector.broadcast %shift_right_arithmetic3A_92 : i32 to vector<16xi32>
    %shift_right_arithmetic3A_94 = arith.shrsi %get3A_91, %shift_right_arithmetic3A_93 : vector<16xi32>
    %swap3A_95 = arith.constant 1 : i32
    %swap3A_96 = arith.index_cast %swap3A_95 : i32 to index
    %swap3A_97 = arith.constant 0 : index
    %swap3A_98 = tpu.vector_load %arg6[%swap3A_96, %swap3A_97] {strides = array<i32>} : memref<4x128xi32, #tpu.memory_space<vmem>>, vector<16xi32>,
    tpu.vector_store %arg6[%swap3A_96, %swap3A_97], %shift_right_arithmetic3A_94 {strides = array<i32>} : memref<4x128xi32, #tpu.memory_space<vmem>>, vector<16xi32>,
    %get3A_99 = arith.constant 1 : i32
    %get3A_100 = arith.index_cast %get3A_99 : i32 to index
    %get3A_101 = arith.constant 16 : index
    %get3A_102 = tpu.vector_load %arg5[%get3A_100, %get3A_101] {strides = array<i32>} : memref<4x128xi32, #tpu.memory_space<vmem>>, vector<16xi32>,
    %shift_right_arithmetic3A_103 = arith.constant 7 : i32
    %shift_right_arithmetic3A_104 = vector.broadcast %shift_right_arithmetic3A_103 : i32 to vector<16xi32>
    %shift_right_arithmetic3A_105 = arith.shrsi %get3A_102, %shift_right_arithmetic3A_104 : vector<16xi32>
    %swap3A_106 = arith.constant 1 : i32
    %swap3A_107 = arith.index_cast %swap3A_106 : i32 to index
    %swap3A_108 = arith.constant 16 : index
    %swap3A_109 = tpu.vector_load %arg6[%swap3A_107, %swap3A_108] {strides = array<i32>} : memref<4x128xi32, #tpu.memory_space<vmem>>, vector<16xi32>,
    tpu.vector_store %arg6[%swap3A_107, %swap3A_108], %shift_right_arithmetic3A_105 {strides = array<i32>} : memref<4x128xi32, #tpu.memory_space<vmem>>, vector<16xi32>,
    %get3A_110 = arith.constant 1 : i32
    %get3A_111 = arith.index_cast %get3A_110 : i32 to index
    %get3A_112 = arith.constant 32 : index
    %get3A_113 = tpu.vector_load %arg5[%get3A_111, %get3A_112] {strides = array<i32>} : memref<4x128xi32, #tpu.memory_space<vmem>>, vector<16xi32>,
    %shift_right_arithmetic3A_114 = arith.constant 7 : i32
    %shift_right_arithmetic3A_115 = vector.broadcast %shift_right_arithmetic3A_114 : i32 to vector<16xi32>
    %shift_right_arithmetic3A_116 = arith.shrsi %get3A_113, %shift_right_arithmetic3A_115 : vector<16xi32>
    %swap3A_117 = arith.constant 1 : i32
    %swap3A_118 = arith.index_cast %swap3A_117 : i32 to index
    %swap3A_119 = arith.constant 32 : index
    %swap3A_120 = tpu.vector_load %arg6[%swap3A_118, %swap3A_119] {strides = array<i32>} : memref<4x128xi32, #tpu.memory_space<vmem>>, vector<16xi32>,
    tpu.vector_store %arg6[%swap3A_118, %swap3A_119], %shift_right_arithmetic3A_116 {strides = array<i32>} : memref<4x128xi32, #tpu.memory_space<vmem>>, vector<16xi32>,
    %get3A_121 = arith.constant 1 : i32
    %get3A_122 = arith.index_cast %get3A_121 : i32 to index
    %get3A_123 = arith.constant 48 : index
    %get3A_124 = tpu.vector_load %arg5[%get3A_122, %get3A_123] {strides = array<i32>} : memref<4x128xi32, #tpu.memory_space<vmem>>, vector<16xi32>,
    %shift_right_arithmetic3A_125 = arith.constant 7 : i32
    %shift_right_arithmetic3A_126 = vector.broadcast %shift_right_arithmetic3A_125 : i32 to vector<16xi32>
    %shift_right_arithmetic3A_127 = arith.shrsi %get3A_124, %shift_right_arithmetic3A_126 : vector<16xi32>
    %swap3A_128 = arith.constant 1 : i32
    %swap3A_129 = arith.index_cast %swap3A_128 : i32 to index
    %swap3A_130 = arith.constant 48 : index
    %swap3A_131 = tpu.vector_load %arg6[%swap3A_129, %swap3A_130] {strides = array<i32>} : memref<4x128xi32, #tpu.memory_space<vmem>>, vector<16xi32>,
    tpu.vector_store %arg6[%swap3A_129, %swap3A_130], %shift_right_arithmetic3A_127 {strides = array<i32>} : memref<4x128xi32, #tpu.memory_space<vmem>>, vector<16xi32>,
    %get3A_132 = arith.constant 1 : i32
    %get3A_133 = arith.index_cast %get3A_132 : i32 to index
    %get3A_134 = arith.constant 64 : index
    %get3A_135 = tpu.vector_load %arg5[%get3A_133, %get3A_134] {strides = array<i32>} : memref<4x128xi32, #tpu.memory_space<vmem>>, vector<16xi32>,
    %shift_right_arithmetic3A_136 = arith.constant 7 : i32
    %shift_right_arithmetic3A_137 = vector.broadcast %shift_right_arithmetic3A_136 : i32 to vector<16xi32>
    %shift_right_arithmetic3A_138 = arith.shrsi %get3A_135, %shift_right_arithmetic3A_137 : vector<16xi32>
    %swap3A_139 = arith.constant 1 : i32
    %swap3A_140 = arith.index_cast %swap3A_139 : i32 to index
    %swap3A_141 = arith.constant 64 : index
    %swap3A_142 = tpu.vector_load %arg6[%swap3A_140, %swap3A_141] {strides = array<i32>} : memref<4x128xi32, #tpu.memory_space<vmem>>, vector<16xi32>,
    tpu.vector_store %arg6[%swap3A_140, %swap3A_141], %shift_right_arithmetic3A_138 {strides = array<i32>} : memref<4x128xi32, #tpu.memory_space<vmem>>, vector<16xi32>,
    %get3A_143 = arith.constant 1 : i32
    %get3A_144 = arith.index_cast %get3A_143 : i32 to index
    %get3A_145 = arith.constant 80 : index
    %get3A_146 = tpu.vector_load %arg5[%get3A_144, %get3A_145] {strides = array<i32>} : memref<4x128xi32, #tpu.memory_space<vmem>>, vector<16xi32>,
    %shift_right_arithmetic3A_147 = arith.constant 7 : i32
    %shift_right_arithmetic3A_148 = vector.broadcast %shift_right_arithmetic3A_147 : i32 to vector<16xi32>
    %shift_right_arithmetic3A_149 = arith.shrsi %get3A_146, %shift_right_arithmetic3A_148 : vector<16xi32>
    %swap3A_150 = arith.constant 1 : i32
    %swap3A_151 = arith.index_cast %swap3A_150 : i32 to index
    %swap3A_152 = arith.constant 80 : index
    %swap3A_153 = tpu.vector_load %arg6[%swap3A_151, %swap3A_152] {strides = array<i32>} : memref<4x128xi32, #tpu.memory_space<vmem>>, vector<16xi32>,
    tpu.vector_store %arg6[%swap3A_151, %swap3A_152], %shift_right_arithmetic3A_149 {strides = array<i32>} : memref<4x128xi32, #tpu.memory_space<vmem>>, vector<16xi32>,
    %get3A_154 = arith.constant 1 : i32
    %get3A_155 = arith.index_cast %get3A_154 : i32 to index
    %get3A_156 = arith.constant 96 : index
    %get3A_157 = tpu.vector_load %arg5[%get3A_155, %get3A_156] {strides = array<i32>} : memref<4x128xi32, #tpu.memory_space<vmem>>, vector<16xi32>,
    %shift_right_arithmetic3A_158 = arith.constant 7 : i32
    %shift_right_arithmetic3A_159 = vector.broadcast %shift_right_arithmetic3A_158 : i32 to vector<16xi32>
    %shift_right_arithmetic3A_160 = arith.shrsi %get3A_157, %shift_right_arithmetic3A_159 : vector<16xi32>
    %swap3A_161 = arith.constant 1 : i32
    %swap3A_162 = arith.index_cast %swap3A_161 : i32 to index
    %swap3A_163 = arith.constant 96 : index
    %swap3A_164 = tpu.vector_load %arg6[%swap3A_162, %swap3A_163] {strides = array<i32>} : memref<4x128xi32, #tpu.memory_space<vmem>>, vector<16xi32>,
    tpu.vector_store %arg6[%swap3A_162, %swap3A_163], %shift_right_arithmetic3A_160 {strides = array<i32>} : memref<4x128xi32, #tpu.memory_space<vmem>>, vector<16xi32>,
    %get3A_165 = arith.constant 1 : i32
    %get3A_166 = arith.index_cast %get3A_165 : i32 to index
    %get3A_167 = arith.constant 112 : index
    %get3A_168 = tpu.vector_load %arg5[%get3A_166, %get3A_167] {strides = array<i32>} : memref<4x128xi32, #tpu.memory_space<vmem>>, vector<16xi32>,
    %shift_right_arithmetic3A_169 = arith.constant 7 : i32
    %shift_right_arithmetic3A_170 = vector.broadcast %shift_right_arithmetic3A_169 : i32 to vector<16xi32>
    %shift_right_arithmetic3A_171 = arith.shrsi %get3A_168, %shift_right_arithmetic3A_170 : vector<16xi32>
    %swap3A_172 = arith.constant 1 : i32
    %swap3A_173 = arith.index_cast %swap3A_172 : i32 to index
    %swap3A_174 = arith.constant 112 : index
    %swap3A_175 = tpu.vector_load %arg6[%swap3A_173, %swap3A_174] {strides = array<i32>} : memref<4x128xi32, #tpu.memory_space<vmem>>, vector<16xi32>,
    tpu.vector_store %arg6[%swap3A_173, %swap3A_174], %shift_right_arithmetic3A_171 {strides = array<i32>} : memref<4x128xi32, #tpu.memory_space<vmem>>, vector<16xi32>,
    %get3A_176 = arith.constant 2 : i32
    %get3A_177 = arith.index_cast %get3A_176 : i32 to index
    %get3A_178 = arith.constant 0 : index
    %get3A_179 = tpu.vector_load %arg5[%get3A_177, %get3A_178] {strides = array<i32>} : memref<4x128xi32, #tpu.memory_space<vmem>>, vector<16xi32>,
    %shift_right_arithmetic3A_180 = arith.constant 7 : i32
    %shift_right_arithmetic3A_181 = vector.broadcast %shift_right_arithmetic3A_180 : i32 to vector<16xi32>
    %shift_right_arithmetic3A_182 = arith.shrsi %get3A_179, %shift_right_arithmetic3A_181 : vector<16xi32>
    %swap3A_183 = arith.constant 2 : i32
    %swap3A_184 = arith.index_cast %swap3A_183 : i32 to index
    %swap3A_185 = arith.constant 0 : index
    %swap3A_186 = tpu.vector_load %arg6[%swap3A_184, %swap3A_185] {strides = array<i32>} : memref<4x128xi32, #tpu.memory_space<vmem>>, vector<16xi32>,
    tpu.vector_store %arg6[%swap3A_184, %swap3A_185], %shift_right_arithmetic3A_182 {strides = array<i32>} : memref<4x128xi32, #tpu.memory_space<vmem>>, vector<16xi32>,
    %get3A_187 = arith.constant 2 : i32
    %get3A_188 = arith.index_cast %get3A_187 : i32 to index
    %get3A_189 = arith.constant 16 : index
    %get3A_190 = tpu.vector_load %arg5[%get3A_188, %get3A_189] {strides = array<i32>} : memref<4x128xi32, #tpu.memory_space<vmem>>, vector<16xi32>,
    %shift_right_arithmetic3A_191 = arith.constant 7 : i32
    %shift_right_arithmetic3A_192 = vector.broadcast %shift_right_arithmetic3A_191 : i32 to vector<16xi32>
    %shift_right_arithmetic3A_193 = arith.shrsi %get3A_190, %shift_right_arithmetic3A_192 : vector<16xi32>
    %swap3A_194 = arith.constant 2 : i32
    %swap3A_195 = arith.index_cast %swap3A_194 : i32 to index
    %swap3A_196 = arith.constant 16 : index
    %swap3A_197 = tpu.vector_load %arg6[%swap3A_195, %swap3A_196] {strides = array<i32>} : memref<4x128xi32, #tpu.memory_space<vmem>>, vector<16xi32>,
    tpu.vector_store %arg6[%swap3A_195, %swap3A_196], %shift_right_arithmetic3A_193 {strides = array<i32>} : memref<4x128xi32, #tpu.memory_space<vmem>>, vector<16xi32>,
    %get3A_198 = arith.constant 2 : i32
    %get3A_199 = arith.index_cast %get3A_198 : i32 to index
    %get3A_200 = arith.constant 32 : index
    %get3A_201 = tpu.vector_load %arg5[%get3A_199, %get3A_200] {strides = array<i32>} : memref<4x128xi32, #tpu.memory_space<vmem>>, vector<16xi32>,
    %shift_right_arithmetic3A_202 = arith.constant 7 : i32
    %shift_right_arithmetic3A_203 = vector.broadcast %shift_right_arithmetic3A_202 : i32 to vector<16xi32>
    %shift_right_arithmetic3A_204 = arith.shrsi %get3A_201, %shift_right_arithmetic3A_203 : vector<16xi32>
    %swap3A_205 = arith.constant 2 : i32
    %swap3A_206 = arith.index_cast %swap3A_205 : i32 to index
    %swap3A_207 = arith.constant 32 : index
    %swap3A_208 = tpu.vector_load %arg6[%swap3A_206, %swap3A_207] {strides = array<i32>} : memref<4x128xi32, #tpu.memory_space<vmem>>, vector<16xi32>,
    tpu.vector_store %arg6[%swap3A_206, %swap3A_207], %shift_right_arithmetic3A_204 {strides = array<i32>} : memref<4x128xi32, #tpu.memory_space<vmem>>, vector<16xi32>,
    %get3A_209 = arith.constant 2 : i32
    %get3A_210 = arith.index_cast %get3A_209 : i32 to index
    %get3A_211 = arith.constant 48 : index
    %get3A_212 = tpu.vector_load %arg5[%get3A_210, %get3A_211] {strides = array<i32>} : memref<4x128xi32, #tpu.memory_space<vmem>>, vector<16xi32>,
    %shift_right_arithmetic3A_213 = arith.constant 7 : i32
    %shift_right_arithmetic3A_214 = vector.broadcast %shift_right_arithmetic3A_213 : i32 to vector<16xi32>
    %shift_right_arithmetic3A_215 = arith.shrsi %get3A_212, %shift_right_arithmetic3A_214 : vector<16xi32>
    %swap3A_216 = arith.constant 2 : i32
    %swap3A_217 = arith.index_cast %swap3A_216 : i32 to index
    %swap3A_218 = arith.constant 48 : index
    %swap3A_219 = tpu.vector_load %arg6[%swap3A_217, %swap3A_218] {strides = array<i32>} : memref<4x128xi32, #tpu.memory_space<vmem>>, vector<16xi32>,
    tpu.vector_store %arg6[%swap3A_217, %swap3A_218], %shift_right_arithmetic3A_215 {strides = array<i32>} : memref<4x128xi32, #tpu.memory_space<vmem>>, vector<16xi32>,
    %get3A_220 = arith.constant 2 : i32
    %get3A_221 = arith.index_cast %get3A_220 : i32 to index
    %get3A_222 = arith.constant 64 : index
    %get3A_223 = tpu.vector_load %arg5[%get3A_221, %get3A_222] {strides = array<i32>} : memref<4x128xi32, #tpu.memory_space<vmem>>, vector<16xi32>,
    %shift_right_arithmetic3A_224 = arith.constant 7 : i32
    %shift_right_arithmetic3A_225 = vector.broadcast %shift_right_arithmetic3A_224 : i32 to vector<16xi32>
    %shift_right_arithmetic3A_226 = arith.shrsi %get3A_223, %shift_right_arithmetic3A_225 : vector<16xi32>
    %swap3A_227 = arith.constant 2 : i32
    %swap3A_228 = arith.index_cast %swap3A_227 : i32 to index
    %swap3A_229 = arith.constant 64 : index
    %swap3A_230 = tpu.vector_load %arg6[%swap3A_228, %swap3A_229] {strides = array<i32>} : memref<4x128xi32, #tpu.memory_space<vmem>>, vector<16xi32>,
    tpu.vector_store %arg6[%swap3A_228, %swap3A_229], %shift_right_arithmetic3A_226 {strides = array<i32>} : memref<4x128xi32, #tpu.memory_space<vmem>>, vector<16xi32>,
    %get3A_231 = arith.constant 2 : i32
    %get3A_232 = arith.index_cast %get3A_231 : i32 to index
    %get3A_233 = arith.constant 80 : index
    %get3A_234 = tpu.vector_load %arg5[%get3A_232, %get3A_233] {strides = array<i32>} : memref<4x128xi32, #tpu.memory_space<vmem>>, vector<16xi32>,
    %shift_right_arithmetic3A_235 = arith.constant 7 : i32
    %shift_right_arithmetic3A_236 = vector.broadcast %shift_right_arithmetic3A_235 : i32 to vector<16xi32>
    %shift_right_arithmetic3A_237 = arith.shrsi %get3A_234, %shift_right_arithmetic3A_236 : vector<16xi32>
    %swap3A_238 = arith.constant 2 : i32
    %swap3A_239 = arith.index_cast %swap3A_238 : i32 to index
    %swap3A_240 = arith.constant 80 : index
    %swap3A_241 = tpu.vector_load %arg6[%swap3A_239, %swap3A_240] {strides = array<i32>} : memref<4x128xi32, #tpu.memory_space<vmem>>, vector<16xi32>,
    tpu.vector_store %arg6[%swap3A_239, %swap3A_240], %shift_right_arithmetic3A_237 {strides = array<i32>} : memref<4x128xi32, #tpu.memory_space<vmem>>, vector<16xi32>,
    %get3A_242 = arith.constant 2 : i32
    %get3A_243 = arith.index_cast %get3A_242 : i32 to index
    %get3A_244 = arith.constant 96 : index
    %get3A_245 = tpu.vector_load %arg5[%get3A_243, %get3A_244] {strides = array<i32>} : memref<4x128xi32, #tpu.memory_space<vmem>>, vector<16xi32>,
    %shift_right_arithmetic3A_246 = arith.constant 7 : i32
    %shift_right_arithmetic3A_247 = vector.broadcast %shift_right_arithmetic3A_246 : i32 to vector<16xi32>
    %shift_right_arithmetic3A_248 = arith.shrsi %get3A_245, %shift_right_arithmetic3A_247 : vector<16xi32>
    %swap3A_249 = arith.constant 2 : i32
    %swap3A_250 = arith.index_cast %swap3A_249 : i32 to index
    %swap3A_251 = arith.constant 96 : index
    %swap3A_252 = tpu.vector_load %arg6[%swap3A_250, %swap3A_251] {strides = array<i32>} : memref<4x128xi32, #tpu.memory_space<vmem>>, vector<16xi32>,
    tpu.vector_store %arg6[%swap3A_250, %swap3A_251], %shift_right_arithmetic3A_248 {strides = array<i32>} : memref<4x128xi32, #tpu.memory_space<vmem>>, vector<16xi32>,
    %get3A_253 = arith.constant 2 : i32
    %get3A_254 = arith.index_cast %get3A_253 : i32 to index
    %get3A_255 = arith.constant 112 : index
    %get3A_256 = tpu.vector_load %arg5[%get3A_254, %get3A_255] {strides = array<i32>} : memref<4x128xi32, #tpu.memory_space<vmem>>, vector<16xi32>,
    %shift_right_arithmetic3A_257 = arith.constant 7 : i32
    %shift_right_arithmetic3A_258 = vector.broadcast %shift_right_arithmetic3A_257 : i32 to vector<16xi32>
    %shift_right_arithmetic3A_259 = arith.shrsi %get3A_256, %shift_right_arithmetic3A_258 : vector<16xi32>
    %swap3A_260 = arith.constant 2 : i32
    %swap3A_261 = arith.index_cast %swap3A_260 : i32 to index
    %swap3A_262 = arith.constant 112 : index
    %swap3A_263 = tpu.vector_load %arg6[%swap3A_261, %swap3A_262] {strides = array<i32>} : memref<4x128xi32, #tpu.memory_space<vmem>>, vector<16xi32>,
    tpu.vector_store %arg6[%swap3A_261, %swap3A_262], %shift_right_arithmetic3A_259 {strides = array<i32>} : memref<4x128xi32, #tpu.memory_space<vmem>>, vector<16xi32>,
    %get3A_264 = arith.constant 3 : i32
    %get3A_265 = arith.index_cast %get3A_264 : i32 to index
    %get3A_266 = arith.constant 0 : index
    %get3A_267 = tpu.vector_load %arg5[%get3A_265, %get3A_266] {strides = array<i32>} : memref<4x128xi32, #tpu.memory_space<vmem>>, vector<16xi32>,
    %shift_right_arithmetic3A_268 = arith.constant 7 : i32
    %shift_right_arithmetic3A_269 = vector.broadcast %shift_right_arithmetic3A_268 : i32 to vector<16xi32>
    %shift_right_arithmetic3A_270 = arith.shrsi %get3A_267, %shift_right_arithmetic3A_269 : vector<16xi32>
    %swap3A_271 = arith.constant 3 : i32
    %swap3A_272 = arith.index_cast %swap3A_271 : i32 to index
    %swap3A_273 = arith.constant 0 : index
    %swap3A_274 = tpu.vector_load %arg6[%swap3A_272, %swap3A_273] {strides = array<i32>} : memref<4x128xi32, #tpu.memory_space<vmem>>, vector<16xi32>,
    tpu.vector_store %arg6[%swap3A_272, %swap3A_273], %shift_right_arithmetic3A_270 {strides = array<i32>} : memref<4x128xi32, #tpu.memory_space<vmem>>, vector<16xi32>,
    %get3A_275 = arith.constant 3 : i32
    %get3A_276 = arith.index_cast %get3A_275 : i32 to index
    %get3A_277 = arith.constant 16 : index
    %get3A_278 = tpu.vector_load %arg5[%get3A_276, %get3A_277] {strides = array<i32>} : memref<4x128xi32, #tpu.memory_space<vmem>>, vector<16xi32>,
    %shift_right_arithmetic3A_279 = arith.constant 7 : i32
    %shift_right_arithmetic3A_280 = vector.broadcast %shift_right_arithmetic3A_279 : i32 to vector<16xi32>
    %shift_right_arithmetic3A_281 = arith.shrsi %get3A_278, %shift_right_arithmetic3A_280 : vector<16xi32>
    %swap3A_282 = arith.constant 3 : i32
    %swap3A_283 = arith.index_cast %swap3A_282 : i32 to index
    %swap3A_284 = arith.constant 16 : index
    %swap3A_285 = tpu.vector_load %arg6[%swap3A_283, %swap3A_284] {strides = array<i32>} : memref<4x128xi32, #tpu.memory_space<vmem>>, vector<16xi32>,
    tpu.vector_store %arg6[%swap3A_283, %swap3A_284], %shift_right_arithmetic3A_281 {strides = array<i32>} : memref<4x128xi32, #tpu.memory_space<vmem>>, vector<16xi32>,
    %get3A_286 = arith.constant 3 : i32
    %get3A_287 = arith.index_cast %get3A_286 : i32 to index
    %get3A_288 = arith.constant 32 : index
    %get3A_289 = tpu.vector_load %arg5[%get3A_287, %get3A_288] {strides = array<i32>} : memref<4x128xi32, #tpu.memory_space<vmem>>, vector<16xi32>,
    %shift_right_arithmetic3A_290 = arith.constant 7 : i32
    %shift_right_arithmetic3A_291 = vector.broadcast %shift_right_arithmetic3A_290 : i32 to vector<16xi32>
    %shift_right_arithmetic3A_292 = arith.shrsi %get3A_289, %shift_right_arithmetic3A_291 : vector<16xi32>
    %swap3A_293 = arith.constant 3 : i32
    %swap3A_294 = arith.index_cast %swap3A_293 : i32 to index
    %swap3A_295 = arith.constant 32 : index
    %swap3A_296 = tpu.vector_load %arg6[%swap3A_294, %swap3A_295] {strides = array<i32>} : memref<4x128xi32, #tpu.memory_space<vmem>>, vector<16xi32>,
    tpu.vector_store %arg6[%swap3A_294, %swap3A_295], %shift_right_arithmetic3A_292 {strides = array<i32>} : memref<4x128xi32, #tpu.memory_space<vmem>>, vector<16xi32>,
    %get3A_297 = arith.constant 3 : i32
    %get3A_298 = arith.index_cast %get3A_297 : i32 to index
    %get3A_299 = arith.constant 48 : index
    %get3A_300 = tpu.vector_load %arg5[%get3A_298, %get3A_299] {strides = array<i32>} : memref<4x128xi32, #tpu.memory_space<vmem>>, vector<16xi32>,
    %shift_right_arithmetic3A_301 = arith.constant 7 : i32
    %shift_right_arithmetic3A_302 = vector.broadcast %shift_right_arithmetic3A_301 : i32 to vector<16xi32>
    %shift_right_arithmetic3A_303 = arith.shrsi %get3A_300, %shift_right_arithmetic3A_302 : vector<16xi32>
    %swap3A_304 = arith.constant 3 : i32
    %swap3A_305 = arith.index_cast %swap3A_304 : i32 to index
    %swap3A_306 = arith.constant 48 : index
    %swap3A_307 = tpu.vector_load %arg6[%swap3A_305, %swap3A_306] {strides = array<i32>} : memref<4x128xi32, #tpu.memory_space<vmem>>, vector<16xi32>,
    tpu.vector_store %arg6[%swap3A_305, %swap3A_306], %shift_right_arithmetic3A_303 {strides = array<i32>} : memref<4x128xi32, #tpu.memory_space<vmem>>, vector<16xi32>,
    %get3A_308 = arith.constant 3 : i32
    %get3A_309 = arith.index_cast %get3A_308 : i32 to index
    %get3A_310 = arith.constant 64 : index
    %get3A_311 = tpu.vector_load %arg5[%get3A_309, %get3A_310] {strides = array<i32>} : memref<4x128xi32, #tpu.memory_space<vmem>>, vector<16xi32>,
    %shift_right_arithmetic3A_312 = arith.constant 7 : i32
    %shift_right_arithmetic3A_313 = vector.broadcast %shift_right_arithmetic3A_312 : i32 to vector<16xi32>
    %shift_right_arithmetic3A_314 = arith.shrsi %get3A_311, %shift_right_arithmetic3A_313 : vector<16xi32>
    %swap3A_315 = arith.constant 3 : i32
    %swap3A_316 = arith.index_cast %swap3A_315 : i32 to index
    %swap3A_317 = arith.constant 64 : index
    %swap3A_318 = tpu.vector_load %arg6[%swap3A_316, %swap3A_317] {strides = array<i32>} : memref<4x128xi32, #tpu.memory_space<vmem>>, vector<16xi32>,
    tpu.vector_store %arg6[%swap3A_316, %swap3A_317], %shift_right_arithmetic3A_314 {strides = array<i32>} : memref<4x128xi32, #tpu.memory_space<vmem>>, vector<16xi32>,
    %get3A_319 = arith.constant 3 : i32
    %get3A_320 = arith.index_cast %get3A_319 : i32 to index
    %get3A_321 = arith.constant 80 : index
    %get3A_322 = tpu.vector_load %arg5[%get3A_320, %get3A_321] {strides = array<i32>} : memref<4x128xi32, #tpu.memory_space<vmem>>, vector<16xi32>,
    %shift_right_arithmetic3A_323 = arith.constant 7 : i32
    %shift_right_arithmetic3A_324 = vector.broadcast %shift_right_arithmetic3A_323 : i32 to vector<16xi32>
    %shift_right_arithmetic3A_325 = arith.shrsi %get3A_322, %shift_right_arithmetic3A_324 : vector<16xi32>
    %swap3A_326 = arith.constant 3 : i32
    %swap3A_327 = arith.index_cast %swap3A_326 : i32 to index
    %swap3A_328 = arith.constant 80 : index
    %swap3A_329 = tpu.vector_load %arg6[%swap3A_327, %swap3A_328] {strides = array<i32>} : memref<4x128xi32, #tpu.memory_space<vmem>>, vector<16xi32>,
    tpu.vector_store %arg6[%swap3A_327, %swap3A_328], %shift_right_arithmetic3A_325 {strides = array<i32>} : memref<4x128xi32, #tpu.memory_space<vmem>>, vector<16xi32>,
    %get3A_330 = arith.constant 3 : i32
    %get3A_331 = arith.index_cast %get3A_330 : i32 to index
    %get3A_332 = arith.constant 96 : index
    %get3A_333 = tpu.vector_load %arg5[%get3A_331, %get3A_332] {strides = array<i32>} : memref<4x128xi32, #tpu.memory_space<vmem>>, vector<16xi32>,
    %shift_right_arithmetic3A_334 = arith.constant 7 : i32
    %shift_right_arithmetic3A_335 = vector.broadcast %shift_right_arithmetic3A_334 : i32 to vector<16xi32>
    %shift_right_arithmetic3A_336 = arith.shrsi %get3A_333, %shift_right_arithmetic3A_335 : vector<16xi32>
    %swap3A_337 = arith.constant 3 : i32
    %swap3A_338 = arith.index_cast %swap3A_337 : i32 to index
    %swap3A_339 = arith.constant 96 : index
    %swap3A_340 = tpu.vector_load %arg6[%swap3A_338, %swap3A_339] {strides = array<i32>} : memref<4x128xi32, #tpu.memory_space<vmem>>, vector<16xi32>,
    tpu.vector_store %arg6[%swap3A_338, %swap3A_339], %shift_right_arithmetic3A_336 {strides = array<i32>} : memref<4x128xi32, #tpu.memory_space<vmem>>, vector<16xi32>,
    %get3A_341 = arith.constant 3 : i32
    %get3A_342 = arith.index_cast %get3A_341 : i32 to index
    %get3A_343 = arith.constant 112 : index
    %get3A_344 = tpu.vector_load %arg5[%get3A_342, %get3A_343] {strides = array<i32>} : memref<4x128xi32, #tpu.memory_space<vmem>>, vector<16xi32>,
    %shift_right_arithmetic3A_345 = arith.constant 7 : i32
    %shift_right_arithmetic3A_346 = vector.broadcast %shift_right_arithmetic3A_345 : i32 to vector<16xi32>
    %shift_right_arithmetic3A_347 = arith.shrsi %get3A_344, %shift_right_arithmetic3A_346 : vector<16xi32>
    %swap3A_348 = arith.constant 3 : i32
    %swap3A_349 = arith.index_cast %swap3A_348 : i32 to index
    %swap3A_350 = arith.constant 112 : index
    %swap3A_351 = tpu.vector_load %arg6[%swap3A_349, %swap3A_350] {strides = array<i32>} : memref<4x128xi32, #tpu.memory_space<vmem>>, vector<16xi32>,
    tpu.vector_store %arg6[%swap3A_349, %swap3A_350], %shift_right_arithmetic3A_347 {strides = array<i32>} : memref<4x128xi32, #tpu.memory_space<vmem>>, vector<16xi32>,
    %dma_start3A = arith.constant 0 : i32
    %dma_start3A_352 = arith.constant 0 : i32
    %dma_start3A_353 = arith.constant 0 : i32
    %dma_start3A_354 = tpu.memref_slice %arg7[%dma_start3A_352, %dma_start3A_353] : memref<512x128xf32, #tpu.memory_space<vmem>> -> memref<128x128xf32, #tpu.memory_space<vmem>>
    %dma_start3A_355 = arith.constant 0 : i32
    %dma_start3A_356 = tpu.memref_slice %arg6[%dma_start3A, %dma_start3A_355] : memref<4x128xi32, #tpu.memory_space<vmem>> -> memref<1x128xi32, #tpu.memory_space<vmem>>
    %dma_start3A_357 = tpu.memref_squeeze %dma_start3A_356 : memref<1x128xi32, #tpu.memory_space<vmem>> -> memref<128xi32, #tpu.memory_space<vmem>>
    %dma_start3A_358 = arith.constant 0 : i32
    %dma_start3A_359 = arith.constant 0 : i32
    %dma_start3A_360 = tpu.memref_slice %arg3[%dma_start3A_358, %dma_start3A_359] : memref<8000x128xf32, #tpu.memory_space<hbm>> -> memref<8000x128xf32, #tpu.memory_space<hbm>>
    tpu.enqueue_indirect_dma source(%dma_start3A_360 : memref<8000x128xf32, #tpu.memory_space<hbm>>) target(%dma_start3A_354 : memref<128x128xf32, #tpu.memory_space<vmem>>) offsets(%dma_start3A_357 : memref<128xi32, #tpu.memory_space<vmem>>) semaphore(%arg9 : memref<!tpu.dma_semaphore, #tpu.memory_space<semaphore_mem>>)
    %dma_start3A_361 = arith.constant 1 : i32
    %dma_start3A_362 = arith.constant 128 : i32
    %dma_start3A_363 = arith.constant 0 : i32
    %dma_start3A_364 = tpu.memref_slice %arg7[%dma_start3A_362, %dma_start3A_363] : memref<512x128xf32, #tpu.memory_space<vmem>> -> memref<128x128xf32, #tpu.memory_space<vmem>>
    %dma_start3A_365 = arith.constant 0 : i32
    %dma_start3A_366 = tpu.memref_slice %arg6[%dma_start3A_361, %dma_start3A_365] : memref<4x128xi32, #tpu.memory_space<vmem>> -> memref<1x128xi32, #tpu.memory_space<vmem>>
    %dma_start3A_367 = tpu.memref_squeeze %dma_start3A_366 : memref<1x128xi32, #tpu.memory_space<vmem>> -> memref<128xi32, #tpu.memory_space<vmem>>
    %dma_start3A_368 = arith.constant 0 : i32
    %dma_start3A_369 = arith.constant 0 : i32
    %dma_start3A_370 = tpu.memref_slice %arg3[%dma_start3A_368, %dma_start3A_369] : memref<8000x128xf32, #tpu.memory_space<hbm>> -> memref<8000x128xf32, #tpu.memory_space<hbm>>
    tpu.enqueue_indirect_dma source(%dma_start3A_370 : memref<8000x128xf32, #tpu.memory_space<hbm>>) target(%dma_start3A_364 : memref<128x128xf32, #tpu.memory_space<vmem>>) offsets(%dma_start3A_367 : memref<128xi32, #tpu.memory_space<vmem>>) semaphore(%arg9 : memref<!tpu.dma_semaphore, #tpu.memory_space<semaphore_mem>>)
    %dma_start3A_371 = arith.constant 2 : i32
    %dma_start3A_372 = arith.constant 256 : i32
    %dma_start3A_373 = arith.constant 0 : i32
    %dma_start3A_374 = tpu.memref_slice %arg7[%dma_start3A_372, %dma_start3A_373] : memref<512x128xf32, #tpu.memory_space<vmem>> -> memref<128x128xf32, #tpu.memory_space<vmem>>
    %dma_start3A_375 = arith.constant 0 : i32
    %dma_start3A_376 = tpu.memref_slice %arg6[%dma_start3A_371, %dma_start3A_375] : memref<4x128xi32, #tpu.memory_space<vmem>> -> memref<1x128xi32, #tpu.memory_space<vmem>>
    %dma_start3A_377 = tpu.memref_squeeze %dma_start3A_376 : memref<1x128xi32, #tpu.memory_space<vmem>> -> memref<128xi32, #tpu.memory_space<vmem>>
    %dma_start3A_378 = arith.constant 0 : i32
    %dma_start3A_379 = arith.constant 0 : i32
    %dma_start3A_380 = tpu.memref_slice %arg3[%dma_start3A_378, %dma_start3A_379] : memref<8000x128xf32, #tpu.memory_space<hbm>> -> memref<8000x128xf32, #tpu.memory_space<hbm>>
    tpu.enqueue_indirect_dma source(%dma_start3A_380 : memref<8000x128xf32, #tpu.memory_space<hbm>>) target(%dma_start3A_374 : memref<128x128xf32, #tpu.memory_space<vmem>>) offsets(%dma_start3A_377 : memref<128xi32, #tpu.memory_space<vmem>>) semaphore(%arg9 : memref<!tpu.dma_semaphore, #tpu.memory_space<semaphore_mem>>)
    %dma_start3A_381 = arith.constant 3 : i32
    %dma_start3A_382 = arith.constant 384 : i32
    %dma_start3A_383 = arith.constant 0 : i32
    %dma_start3A_384 = tpu.memref_slice %arg7[%dma_start3A_382, %dma_start3A_383] : memref<512x128xf32, #tpu.memory_space<vmem>> -> memref<128x128xf32, #tpu.memory_space<vmem>>
    %dma_start3A_385 = arith.constant 0 : i32
    %dma_start3A_386 = tpu.memref_slice %arg6[%dma_start3A_381, %dma_start3A_385] : memref<4x128xi32, #tpu.memory_space<vmem>> -> memref<1x128xi32, #tpu.memory_space<vmem>>
    %dma_start3A_387 = tpu.memref_squeeze %dma_start3A_386 : memref<1x128xi32, #tpu.memory_space<vmem>> -> memref<128xi32, #tpu.memory_space<vmem>>
    %dma_start3A_388 = arith.constant 0 : i32
    %dma_start3A_389 = arith.constant 0 : i32
    %dma_start3A_390 = tpu.memref_slice %arg3[%dma_start3A_388, %dma_start3A_389] : memref<8000x128xf32, #tpu.memory_space<hbm>> -> memref<8000x128xf32, #tpu.memory_space<hbm>>
    tpu.enqueue_indirect_dma source(%dma_start3A_390 : memref<8000x128xf32, #tpu.memory_space<hbm>>) target(%dma_start3A_384 : memref<128x128xf32, #tpu.memory_space<vmem>>) offsets(%dma_start3A_387 : memref<128xi32, #tpu.memory_space<vmem>>) semaphore(%arg9 : memref<!tpu.dma_semaphore, #tpu.memory_space<semaphore_mem>>)
    %dma_wait3A = arith.constant 0 : i32
    %dma_wait3A_391 = arith.constant 0 : i32
    %dma_wait3A_392 = arith.constant 0 : i32
    %dma_wait3A_393 = tpu.memref_slice %arg7[%dma_wait3A_391, %dma_wait3A_392] : memref<512x128xf32, #tpu.memory_space<vmem>> -> memref<128x128xf32, #tpu.memory_space<vmem>>
    %dma_wait3A_394 = arith.constant 0 : i32
    %dma_wait3A_395 = tpu.memref_slice %arg6[%dma_wait3A, %dma_wait3A_394] : memref<4x128xi32, #tpu.memory_space<vmem>> -> memref<1x128xi32, #tpu.memory_space<vmem>>
    %dma_wait3A_396 = tpu.memref_squeeze %dma_wait3A_395 : memref<1x128xi32, #tpu.memory_space<vmem>> -> memref<128xi32, #tpu.memory_space<vmem>>
    %dma_wait3A_397 = arith.constant 0 : i32
    %dma_wait3A_398 = arith.constant 0 : i32
    %dma_wait3A_399 = tpu.memref_slice %arg3[%dma_wait3A_397, %dma_wait3A_398] : memref<8000x128xf32, #tpu.memory_space<hbm>> -> memref<8000x128xf32, #tpu.memory_space<hbm>>
    tpu.wait_indirect_dma semaphore(%arg9 : memref<!tpu.dma_semaphore, #tpu.memory_space<semaphore_mem>>) src(%dma_wait3A_399 : memref<8000x128xf32, #tpu.memory_space<hbm>>) dst(%dma_wait3A_393 : memref<128x128xf32, #tpu.memory_space<vmem>>)
    %dma_wait3A_400 = arith.constant 1 : i32
    %dma_wait3A_401 = arith.constant 128 : i32
    %dma_wait3A_402 = arith.constant 0 : i32
    %dma_wait3A_403 = tpu.memref_slice %arg7[%dma_wait3A_401, %dma_wait3A_402] : memref<512x128xf32, #tpu.memory_space<vmem>> -> memref<128x128xf32, #tpu.memory_space<vmem>>
    %dma_wait3A_404 = arith.constant 0 : i32
    %dma_wait3A_405 = tpu.memref_slice %arg6[%dma_wait3A_400, %dma_wait3A_404] : memref<4x128xi32, #tpu.memory_space<vmem>> -> memref<1x128xi32, #tpu.memory_space<vmem>>
    %dma_wait3A_406 = tpu.memref_squeeze %dma_wait3A_405 : memref<1x128xi32, #tpu.memory_space<vmem>> -> memref<128xi32, #tpu.memory_space<vmem>>
    %dma_wait3A_407 = arith.constant 0 : i32
    %dma_wait3A_408 = arith.constant 0 : i32
    %dma_wait3A_409 = tpu.memref_slice %arg3[%dma_wait3A_407, %dma_wait3A_408] : memref<8000x128xf32, #tpu.memory_space<hbm>> -> memref<8000x128xf32, #tpu.memory_space<hbm>>
    tpu.wait_indirect_dma semaphore(%arg9 : memref<!tpu.dma_semaphore, #tpu.memory_space<semaphore_mem>>) src(%dma_wait3A_409 : memref<8000x128xf32, #tpu.memory_space<hbm>>) dst(%dma_wait3A_403 : memref<128x128xf32, #tpu.memory_space<vmem>>)
    %dma_wait3A_410 = arith.constant 2 : i32
    %dma_wait3A_411 = arith.constant 256 : i32
    %dma_wait3A_412 = arith.constant 0 : i32
    %dma_wait3A_413 = tpu.memref_slice %arg7[%dma_wait3A_411, %dma_wait3A_412] : memref<512x128xf32, #tpu.memory_space<vmem>> -> memref<128x128xf32, #tpu.memory_space<vmem>>
    %dma_wait3A_414 = arith.constant 0 : i32
    %dma_wait3A_415 = tpu.memref_slice %arg6[%dma_wait3A_410, %dma_wait3A_414] : memref<4x128xi32, #tpu.memory_space<vmem>> -> memref<1x128xi32, #tpu.memory_space<vmem>>
    %dma_wait3A_416 = tpu.memref_squeeze %dma_wait3A_415 : memref<1x128xi32, #tpu.memory_space<vmem>> -> memref<128xi32, #tpu.memory_space<vmem>>
    %dma_wait3A_417 = arith.constant 0 : i32
    %dma_wait3A_418 = arith.constant 0 : i32
    %dma_wait3A_419 = tpu.memref_slice %arg3[%dma_wait3A_417, %dma_wait3A_418] : memref<8000x128xf32, #tpu.memory_space<hbm>> -> memref<8000x128xf32, #tpu.memory_space<hbm>>
    tpu.wait_indirect_dma semaphore(%arg9 : memref<!tpu.dma_semaphore, #tpu.memory_space<semaphore_mem>>) src(%dma_wait3A_419 : memref<8000x128xf32, #tpu.memory_space<hbm>>) dst(%dma_wait3A_413 : memref<128x128xf32, #tpu.memory_space<vmem>>)
    %dma_wait3A_420 = arith.constant 3 : i32
    %dma_wait3A_421 = arith.constant 384 : i32
    %dma_wait3A_422 = arith.constant 0 : i32
    %dma_wait3A_423 = tpu.memref_slice %arg7[%dma_wait3A_421, %dma_wait3A_422] : memref<512x128xf32, #tpu.memory_space<vmem>> -> memref<128x128xf32, #tpu.memory_space<vmem>>
    %dma_wait3A_424 = arith.constant 0 : i32
    %dma_wait3A_425 = tpu.memref_slice %arg6[%dma_wait3A_420, %dma_wait3A_424] : memref<4x128xi32, #tpu.memory_space<vmem>> -> memref<1x128xi32, #tpu.memory_space<vmem>>
    %dma_wait3A_426 = tpu.memref_squeeze %dma_wait3A_425 : memref<1x128xi32, #tpu.memory_space<vmem>> -> memref<128xi32, #tpu.memory_space<vmem>>
    %dma_wait3A_427 = arith.constant 0 : i32
    %dma_wait3A_428 = arith.constant 0 : i32
    %dma_wait3A_429 = tpu.memref_slice %arg3[%dma_wait3A_427, %dma_wait3A_428] : memref<8000x128xf32, #tpu.memory_space<hbm>> -> memref<8000x128xf32, #tpu.memory_space<hbm>>
    tpu.wait_indirect_dma semaphore(%arg9 : memref<!tpu.dma_semaphore, #tpu.memory_space<semaphore_mem>>) src(%dma_wait3A_429 : memref<8000x128xf32, #tpu.memory_space<hbm>>) dst(%dma_wait3A_423 : memref<128x128xf32, #tpu.memory_space<vmem>>)
    %iota3A = tpu.iota {dimensions = array<i32: 0>} : vector<16xi32>
    %scan3A = arith.constant 0 : i32
    %scan3A_430 = arith.constant 0 : i32
    %scan3A_431 = arith.constant 32 : i32
    %scan3A_432 = arith.addi %scan3A_430, %scan3A_431 : i32
    %scan3A_433 = arith.constant 1 : i32
    scf.for %scan3A_437 = %scan3A_430 to %scan3A_432 step %scan3A_433  : i32 {
      %jit3A = arith.constant 8 : i32
      %div3A = arith.divsi %scan3A_437, %jit3A : i32
      %sign3A = arith.constant 0 : i32
      %sign3A_438 = arith.cmpi sgt, %scan3A_437, %sign3A : i32
      %sign3A_439 = arith.extui %sign3A_438 : i1 to i32
      %sign3A_440 = arith.constant 0 : i32
      %sign3A_441 = arith.cmpi slt, %scan3A_437, %sign3A_440 : i32
      %sign3A_442 = arith.extui %sign3A_441 : i1 to i32
      %sign3A_443 = arith.subi %sign3A_439, %sign3A_442 : i32
      %sign3A_444 = arith.constant 0 : i32
      %sign3A_445 = arith.cmpi sgt, %jit3A, %sign3A_444 : i32
      %sign3A_446 = arith.extui %sign3A_445 : i1 to i32
      %sign3A_447 = arith.constant 0 : i32
      %sign3A_448 = arith.cmpi slt, %jit3A, %sign3A_447 : i32
      %sign3A_449 = arith.extui %sign3A_448 : i1 to i32
      %sign3A_450 = arith.subi %sign3A_446, %sign3A_449 : i32
      %ne3A = arith.cmpi ne, %sign3A_443, %sign3A_450 : i32
      %rem3A = arith.remsi %scan3A_437, %jit3A : i32
      %ne3A_451 = arith.constant 0 : i32
      %ne3A_452 = arith.cmpi ne, %rem3A, %ne3A_451 : i32
      %and3A = arith.andi %ne3A, %ne3A_452 : i1
      %sub3A = arith.constant 1 : i32
      %sub3A_453 = arith.subi %div3A, %sub3A : i32
      %select_n3A = arith.select %and3A, %sub3A_453, %div3A : i32
      %mul3A_454 = arith.constant 8 : i32
      %mul3A_455 = arith.muli %select_n3A, %mul3A_454 : i32
      %sub3A_456 = arith.subi %scan3A_437, %mul3A_455 : i32
      %mul3A_457 = arith.constant 16 : i32
      %mul3A_458 = arith.muli %sub3A_456, %mul3A_457 : i32
      %get3A_459 = arith.index_cast %select_n3A : i32 to index
      %get3A_460 = arith.index_cast %mul3A_458 : i32 to index
      %get3A_461 = tpu.vector_load %arg5[%get3A_459, %get3A_460] {strides = array<i32>} : memref<4x128xi32, #tpu.memory_space<vmem>>, vector<16xi32>,
      %and3A_462 = arith.constant 127 : i32
      %and3A_463 = vector.broadcast %and3A_462 : i32 to vector<16xi32>
      %and3A_464 = arith.andi %get3A_461, %and3A_463 : vector<16xi32>
      %mul3A_465 = arith.constant 16 : i32
      %mul3A_466 = arith.muli %scan3A_437, %mul3A_465 : i32
      %add3A_467 = vector.broadcast %mul3A_466 : i32 to vector<16xi32>
      %add3A_468 = arith.addi %add3A_467, %iota3A : vector<16xi32>
      %gather3A = tpu.vector_load_idx %arg7[%add3A_468, %and3A_464] : memref<512x128xf32, #tpu.memory_space<vmem>>[vector<16xi32>, vector<16xi32>], vector<16xf32>,
      %mul3A_469 = arith.constant 16 : i32
      %mul3A_470 = arith.muli %scan3A_437, %mul3A_469 : i32
      %swap3A_471 = arith.index_cast %mul3A_470 : i32 to index
      %swap3A_472 = tpu.vector_load %arg8[%swap3A_471] {strides = array<i32>} : memref<512xf32, #tpu.memory_space<vmem>>, vector<16xf32>,
      tpu.vector_store %arg8[%swap3A_471], %gather3A {strides = array<i32>} : memref<512xf32, #tpu.memory_space<vmem>>, vector<16xf32>,
    }
    %scan3A_434 = arith.constant 32 : i32
    %mul3A_435 = arith.constant 512 : i32
    %mul3A_436 = arith.muli %add3A, %mul3A_435 : i32
    "tpu.region"() ({
      %run_scoped3A = tpu.sem_alloc : memref<!tpu.dma_semaphore, #tpu.memory_space<semaphore_mem>>
      %dma_start3A_437 = tpu.memref_slice %arg4[%mul3A_436] : memref<16384xf32, #tpu.memory_space<hbm>> -> memref<512xf32, #tpu.memory_space<hbm>>
      %dma_start3A_438 = tpu.memref_slice %arg4[%mul3A_436] : memref<16384xf32, #tpu.memory_space<hbm>> -> memref<512xf32, #tpu.memory_space<hbm>>
      tpu.enqueue_dma source(%arg8 : memref<512xf32, #tpu.memory_space<vmem>>) target(%dma_start3A_438 : memref<512xf32, #tpu.memory_space<hbm>>) target_semaphore(%run_scoped3A : memref<!tpu.dma_semaphore, #tpu.memory_space<semaphore_mem>>)
      %dma_wait3A_439 = tpu.memref_slice %arg4[%mul3A_436] : memref<16384xf32, #tpu.memory_space<hbm>> -> memref<512xf32, #tpu.memory_space<hbm>>
      %dma_wait3A_440 = tpu.memref_slice %arg4[%mul3A_436] : memref<16384xf32, #tpu.memory_space<hbm>> -> memref<512xf32, #tpu.memory_space<hbm>>
      tpu.wait_dma2 semaphore(%run_scoped3A : memref<!tpu.dma_semaphore, #tpu.memory_space<semaphore_mem>>) src(%arg8 : memref<512xf32, #tpu.memory_space<vmem>>) dst(%dma_wait3A_440 : memref<512xf32, #tpu.memory_space<hbm>>)
      tpu.yield
    }) : () -> ()
    return
  }
}

module attributes {stable_mosaic.version = 14 : i64} {
  func.func @_tc_dense_body(%arg0: i32, %arg1: memref<1x16xf32, #tpu.memory_space<smem>>, %arg2: memref<1xf32, #tpu.memory_space<smem>>, %arg3: memref<16x102400xf32, #tpu.memory_space<vmem>>, %arg4: memref<800x128xf32, #tpu.memory_space<vmem>>) attributes {dimension_semantics = [#tpu.dimension_semantics<arbitrary>], iteration_bounds = array<i64: 10>, scalar_prefetch = 0 : i64, scratch_operands = 0 : i64, tpu.core_type = #tpu.core_type<tc>, window_params = [{transform_indices = @transform_0, window_bounds = array<i64: 1, 16>}, {transform_indices = @transform_1, window_bounds = array<i64: 1>}, {transform_indices = @transform_2, window_bounds = array<i64: 16, 102400>}, {transform_indices = @transform_3, window_bounds = array<i64: 800, 128>}]} {
    %get3A = arith.constant 0 : index
    %get3A_0 = memref.load %arg2[%get3A] : memref<1xf32, #tpu.memory_space<smem>>
    %broadcast_in_dim3A = vector.broadcast %get3A_0 : f32 to vector<800x128xf32>
    %get3A_1 = arith.constant 0 : index
    %get3A_2 = arith.constant 0 : index
    %get3A_3 = vector.load %arg3[%get3A_1, %get3A_2] : memref<16x102400xf32, #tpu.memory_space<vmem>>, vector<1x102400xf32>
    %get3A_4 = vector.shape_cast %get3A_3 : vector<1x102400xf32> to vector<102400xf32>
    %reshape3A = vector.shape_cast %get3A_4 : vector<102400xf32> to vector<800x128xf32>
    %get3A_5 = arith.constant 0 : index
    %get3A_6 = arith.constant 0 : index
    %get3A_7 = memref.load %arg1[%get3A_5, %get3A_6] : memref<1x16xf32, #tpu.memory_space<smem>>
    %mul3A = vector.broadcast %get3A_7 : f32 to vector<800x128xf32>
    %mul3A_8 = arith.mulf %reshape3A, %mul3A : vector<800x128xf32>
    %add3A = arith.addf %broadcast_in_dim3A, %mul3A_8 : vector<800x128xf32>
    %get3A_9 = arith.constant 1 : index
    %get3A_10 = arith.constant 0 : index
    %get3A_11 = vector.load %arg3[%get3A_9, %get3A_10] : memref<16x102400xf32, #tpu.memory_space<vmem>>, vector<1x102400xf32>
    %get3A_12 = vector.shape_cast %get3A_11 : vector<1x102400xf32> to vector<102400xf32>
    %reshape3A_13 = vector.shape_cast %get3A_12 : vector<102400xf32> to vector<800x128xf32>
    %get3A_14 = arith.constant 0 : index
    %get3A_15 = arith.constant 1 : index
    %get3A_16 = memref.load %arg1[%get3A_14, %get3A_15] : memref<1x16xf32, #tpu.memory_space<smem>>
    %mul3A_17 = vector.broadcast %get3A_16 : f32 to vector<800x128xf32>
    %mul3A_18 = arith.mulf %reshape3A_13, %mul3A_17 : vector<800x128xf32>
    %add3A_19 = arith.addf %add3A, %mul3A_18 : vector<800x128xf32>
    %get3A_20 = arith.constant 2 : index
    %get3A_21 = arith.constant 0 : index
    %get3A_22 = vector.load %arg3[%get3A_20, %get3A_21] : memref<16x102400xf32, #tpu.memory_space<vmem>>, vector<1x102400xf32>
    %get3A_23 = vector.shape_cast %get3A_22 : vector<1x102400xf32> to vector<102400xf32>
    %reshape3A_24 = vector.shape_cast %get3A_23 : vector<102400xf32> to vector<800x128xf32>
    %get3A_25 = arith.constant 0 : index
    %get3A_26 = arith.constant 2 : index
    %get3A_27 = memref.load %arg1[%get3A_25, %get3A_26] : memref<1x16xf32, #tpu.memory_space<smem>>
    %mul3A_28 = vector.broadcast %get3A_27 : f32 to vector<800x128xf32>
    %mul3A_29 = arith.mulf %reshape3A_24, %mul3A_28 : vector<800x128xf32>
    %add3A_30 = arith.addf %add3A_19, %mul3A_29 : vector<800x128xf32>
    %get3A_31 = arith.constant 3 : index
    %get3A_32 = arith.constant 0 : index
    %get3A_33 = vector.load %arg3[%get3A_31, %get3A_32] : memref<16x102400xf32, #tpu.memory_space<vmem>>, vector<1x102400xf32>
    %get3A_34 = vector.shape_cast %get3A_33 : vector<1x102400xf32> to vector<102400xf32>
    %reshape3A_35 = vector.shape_cast %get3A_34 : vector<102400xf32> to vector<800x128xf32>
    %get3A_36 = arith.constant 0 : index
    %get3A_37 = arith.constant 3 : index
    %get3A_38 = memref.load %arg1[%get3A_36, %get3A_37] : memref<1x16xf32, #tpu.memory_space<smem>>
    %mul3A_39 = vector.broadcast %get3A_38 : f32 to vector<800x128xf32>
    %mul3A_40 = arith.mulf %reshape3A_35, %mul3A_39 : vector<800x128xf32>
    %add3A_41 = arith.addf %add3A_30, %mul3A_40 : vector<800x128xf32>
    %get3A_42 = arith.constant 4 : index
    %get3A_43 = arith.constant 0 : index
    %get3A_44 = vector.load %arg3[%get3A_42, %get3A_43] : memref<16x102400xf32, #tpu.memory_space<vmem>>, vector<1x102400xf32>
    %get3A_45 = vector.shape_cast %get3A_44 : vector<1x102400xf32> to vector<102400xf32>
    %reshape3A_46 = vector.shape_cast %get3A_45 : vector<102400xf32> to vector<800x128xf32>
    %get3A_47 = arith.constant 0 : index
    %get3A_48 = arith.constant 4 : index
    %get3A_49 = memref.load %arg1[%get3A_47, %get3A_48] : memref<1x16xf32, #tpu.memory_space<smem>>
    %mul3A_50 = vector.broadcast %get3A_49 : f32 to vector<800x128xf32>
    %mul3A_51 = arith.mulf %reshape3A_46, %mul3A_50 : vector<800x128xf32>
    %add3A_52 = arith.addf %add3A_41, %mul3A_51 : vector<800x128xf32>
    %get3A_53 = arith.constant 5 : index
    %get3A_54 = arith.constant 0 : index
    %get3A_55 = vector.load %arg3[%get3A_53, %get3A_54] : memref<16x102400xf32, #tpu.memory_space<vmem>>, vector<1x102400xf32>
    %get3A_56 = vector.shape_cast %get3A_55 : vector<1x102400xf32> to vector<102400xf32>
    %reshape3A_57 = vector.shape_cast %get3A_56 : vector<102400xf32> to vector<800x128xf32>
    %get3A_58 = arith.constant 0 : index
    %get3A_59 = arith.constant 5 : index
    %get3A_60 = memref.load %arg1[%get3A_58, %get3A_59] : memref<1x16xf32, #tpu.memory_space<smem>>
    %mul3A_61 = vector.broadcast %get3A_60 : f32 to vector<800x128xf32>
    %mul3A_62 = arith.mulf %reshape3A_57, %mul3A_61 : vector<800x128xf32>
    %add3A_63 = arith.addf %add3A_52, %mul3A_62 : vector<800x128xf32>
    %get3A_64 = arith.constant 6 : index
    %get3A_65 = arith.constant 0 : index
    %get3A_66 = vector.load %arg3[%get3A_64, %get3A_65] : memref<16x102400xf32, #tpu.memory_space<vmem>>, vector<1x102400xf32>
    %get3A_67 = vector.shape_cast %get3A_66 : vector<1x102400xf32> to vector<102400xf32>
    %reshape3A_68 = vector.shape_cast %get3A_67 : vector<102400xf32> to vector<800x128xf32>
    %get3A_69 = arith.constant 0 : index
    %get3A_70 = arith.constant 6 : index
    %get3A_71 = memref.load %arg1[%get3A_69, %get3A_70] : memref<1x16xf32, #tpu.memory_space<smem>>
    %mul3A_72 = vector.broadcast %get3A_71 : f32 to vector<800x128xf32>
    %mul3A_73 = arith.mulf %reshape3A_68, %mul3A_72 : vector<800x128xf32>
    %add3A_74 = arith.addf %add3A_63, %mul3A_73 : vector<800x128xf32>
    %get3A_75 = arith.constant 7 : index
    %get3A_76 = arith.constant 0 : index
    %get3A_77 = vector.load %arg3[%get3A_75, %get3A_76] : memref<16x102400xf32, #tpu.memory_space<vmem>>, vector<1x102400xf32>
    %get3A_78 = vector.shape_cast %get3A_77 : vector<1x102400xf32> to vector<102400xf32>
    %reshape3A_79 = vector.shape_cast %get3A_78 : vector<102400xf32> to vector<800x128xf32>
    %get3A_80 = arith.constant 0 : index
    %get3A_81 = arith.constant 7 : index
    %get3A_82 = memref.load %arg1[%get3A_80, %get3A_81] : memref<1x16xf32, #tpu.memory_space<smem>>
    %mul3A_83 = vector.broadcast %get3A_82 : f32 to vector<800x128xf32>
    %mul3A_84 = arith.mulf %reshape3A_79, %mul3A_83 : vector<800x128xf32>
    %add3A_85 = arith.addf %add3A_74, %mul3A_84 : vector<800x128xf32>
    %get3A_86 = arith.constant 8 : index
    %get3A_87 = arith.constant 0 : index
    %get3A_88 = vector.load %arg3[%get3A_86, %get3A_87] : memref<16x102400xf32, #tpu.memory_space<vmem>>, vector<1x102400xf32>
    %get3A_89 = vector.shape_cast %get3A_88 : vector<1x102400xf32> to vector<102400xf32>
    %reshape3A_90 = vector.shape_cast %get3A_89 : vector<102400xf32> to vector<800x128xf32>
    %get3A_91 = arith.constant 0 : index
    %get3A_92 = arith.constant 8 : index
    %get3A_93 = memref.load %arg1[%get3A_91, %get3A_92] : memref<1x16xf32, #tpu.memory_space<smem>>
    %mul3A_94 = vector.broadcast %get3A_93 : f32 to vector<800x128xf32>
    %mul3A_95 = arith.mulf %reshape3A_90, %mul3A_94 : vector<800x128xf32>
    %add3A_96 = arith.addf %add3A_85, %mul3A_95 : vector<800x128xf32>
    %get3A_97 = arith.constant 9 : index
    %get3A_98 = arith.constant 0 : index
    %get3A_99 = vector.load %arg3[%get3A_97, %get3A_98] : memref<16x102400xf32, #tpu.memory_space<vmem>>, vector<1x102400xf32>
    %get3A_100 = vector.shape_cast %get3A_99 : vector<1x102400xf32> to vector<102400xf32>
    %reshape3A_101 = vector.shape_cast %get3A_100 : vector<102400xf32> to vector<800x128xf32>
    %get3A_102 = arith.constant 0 : index
    %get3A_103 = arith.constant 9 : index
    %get3A_104 = memref.load %arg1[%get3A_102, %get3A_103] : memref<1x16xf32, #tpu.memory_space<smem>>
    %mul3A_105 = vector.broadcast %get3A_104 : f32 to vector<800x128xf32>
    %mul3A_106 = arith.mulf %reshape3A_101, %mul3A_105 : vector<800x128xf32>
    %add3A_107 = arith.addf %add3A_96, %mul3A_106 : vector<800x128xf32>
    %get3A_108 = arith.constant 10 : index
    %get3A_109 = arith.constant 0 : index
    %get3A_110 = vector.load %arg3[%get3A_108, %get3A_109] : memref<16x102400xf32, #tpu.memory_space<vmem>>, vector<1x102400xf32>
    %get3A_111 = vector.shape_cast %get3A_110 : vector<1x102400xf32> to vector<102400xf32>
    %reshape3A_112 = vector.shape_cast %get3A_111 : vector<102400xf32> to vector<800x128xf32>
    %get3A_113 = arith.constant 0 : index
    %get3A_114 = arith.constant 10 : index
    %get3A_115 = memref.load %arg1[%get3A_113, %get3A_114] : memref<1x16xf32, #tpu.memory_space<smem>>
    %mul3A_116 = vector.broadcast %get3A_115 : f32 to vector<800x128xf32>
    %mul3A_117 = arith.mulf %reshape3A_112, %mul3A_116 : vector<800x128xf32>
    %add3A_118 = arith.addf %add3A_107, %mul3A_117 : vector<800x128xf32>
    %get3A_119 = arith.constant 11 : index
    %get3A_120 = arith.constant 0 : index
    %get3A_121 = vector.load %arg3[%get3A_119, %get3A_120] : memref<16x102400xf32, #tpu.memory_space<vmem>>, vector<1x102400xf32>
    %get3A_122 = vector.shape_cast %get3A_121 : vector<1x102400xf32> to vector<102400xf32>
    %reshape3A_123 = vector.shape_cast %get3A_122 : vector<102400xf32> to vector<800x128xf32>
    %get3A_124 = arith.constant 0 : index
    %get3A_125 = arith.constant 11 : index
    %get3A_126 = memref.load %arg1[%get3A_124, %get3A_125] : memref<1x16xf32, #tpu.memory_space<smem>>
    %mul3A_127 = vector.broadcast %get3A_126 : f32 to vector<800x128xf32>
    %mul3A_128 = arith.mulf %reshape3A_123, %mul3A_127 : vector<800x128xf32>
    %add3A_129 = arith.addf %add3A_118, %mul3A_128 : vector<800x128xf32>
    %get3A_130 = arith.constant 12 : index
    %get3A_131 = arith.constant 0 : index
    %get3A_132 = vector.load %arg3[%get3A_130, %get3A_131] : memref<16x102400xf32, #tpu.memory_space<vmem>>, vector<1x102400xf32>
    %get3A_133 = vector.shape_cast %get3A_132 : vector<1x102400xf32> to vector<102400xf32>
    %reshape3A_134 = vector.shape_cast %get3A_133 : vector<102400xf32> to vector<800x128xf32>
    %get3A_135 = arith.constant 0 : index
    %get3A_136 = arith.constant 12 : index
    %get3A_137 = memref.load %arg1[%get3A_135, %get3A_136] : memref<1x16xf32, #tpu.memory_space<smem>>
    %mul3A_138 = vector.broadcast %get3A_137 : f32 to vector<800x128xf32>
    %mul3A_139 = arith.mulf %reshape3A_134, %mul3A_138 : vector<800x128xf32>
    %add3A_140 = arith.addf %add3A_129, %mul3A_139 : vector<800x128xf32>
    %get3A_141 = arith.constant 13 : index
    %get3A_142 = arith.constant 0 : index
    %get3A_143 = vector.load %arg3[%get3A_141, %get3A_142] : memref<16x102400xf32, #tpu.memory_space<vmem>>, vector<1x102400xf32>
    %get3A_144 = vector.shape_cast %get3A_143 : vector<1x102400xf32> to vector<102400xf32>
    %reshape3A_145 = vector.shape_cast %get3A_144 : vector<102400xf32> to vector<800x128xf32>
    %get3A_146 = arith.constant 0 : index
    %get3A_147 = arith.constant 13 : index
    %get3A_148 = memref.load %arg1[%get3A_146, %get3A_147] : memref<1x16xf32, #tpu.memory_space<smem>>
    %mul3A_149 = vector.broadcast %get3A_148 : f32 to vector<800x128xf32>
    %mul3A_150 = arith.mulf %reshape3A_145, %mul3A_149 : vector<800x128xf32>
    %add3A_151 = arith.addf %add3A_140, %mul3A_150 : vector<800x128xf32>
    %get3A_152 = arith.constant 14 : index
    %get3A_153 = arith.constant 0 : index
    %get3A_154 = vector.load %arg3[%get3A_152, %get3A_153] : memref<16x102400xf32, #tpu.memory_space<vmem>>, vector<1x102400xf32>
    %get3A_155 = vector.shape_cast %get3A_154 : vector<1x102400xf32> to vector<102400xf32>
    %reshape3A_156 = vector.shape_cast %get3A_155 : vector<102400xf32> to vector<800x128xf32>
    %get3A_157 = arith.constant 0 : index
    %get3A_158 = arith.constant 14 : index
    %get3A_159 = memref.load %arg1[%get3A_157, %get3A_158] : memref<1x16xf32, #tpu.memory_space<smem>>
    %mul3A_160 = vector.broadcast %get3A_159 : f32 to vector<800x128xf32>
    %mul3A_161 = arith.mulf %reshape3A_156, %mul3A_160 : vector<800x128xf32>
    %add3A_162 = arith.addf %add3A_151, %mul3A_161 : vector<800x128xf32>
    %get3A_163 = arith.constant 15 : index
    %get3A_164 = arith.constant 0 : index
    %get3A_165 = vector.load %arg3[%get3A_163, %get3A_164] : memref<16x102400xf32, #tpu.memory_space<vmem>>, vector<1x102400xf32>
    %get3A_166 = vector.shape_cast %get3A_165 : vector<1x102400xf32> to vector<102400xf32>
    %reshape3A_167 = vector.shape_cast %get3A_166 : vector<102400xf32> to vector<800x128xf32>
    %get3A_168 = arith.constant 0 : index
    %get3A_169 = arith.constant 15 : index
    %get3A_170 = memref.load %arg1[%get3A_168, %get3A_169] : memref<1x16xf32, #tpu.memory_space<smem>>
    %mul3A_171 = vector.broadcast %get3A_170 : f32 to vector<800x128xf32>
    %mul3A_172 = arith.mulf %reshape3A_167, %mul3A_171 : vector<800x128xf32>
    %add3A_173 = arith.addf %add3A_162, %mul3A_172 : vector<800x128xf32>
    %swap3A = arith.constant 0 : index
    %swap3A_174 = arith.constant 0 : index
    %swap3A_175 = vector.load %arg4[%swap3A, %swap3A_174] : memref<800x128xf32, #tpu.memory_space<vmem>>, vector<800x128xf32>
    tpu.vector_store %arg4[%swap3A, %swap3A_174], %add3A_173 {strides = array<i32>} : memref<800x128xf32, #tpu.memory_space<vmem>>, vector<800x128xf32>,
    return
  }
  func.func @transform_0(%arg0: i32) -> (i32, i32) {
    %c0_i32 = arith.constant 0 : i32
    %c0_i32_0 = arith.constant 0 : i32
    %c0_i32_1 = arith.constant 0 : i32
    return %c0_i32, %c0_i32_0 : i32, i32
  }
  func.func @transform_1(%arg0: i32) -> i32 {
    %c0_i32 = arith.constant 0 : i32
    %c0_i32_0 = arith.constant 0 : i32
    return %c0_i32 : i32
  }
  func.func @transform_2(%arg0: i32) -> (i32, i32) {
    %c0_i32 = arith.constant 0 : i32
    %c0_i32_0 = arith.constant 0 : i32
    return %c0_i32, %arg0 : i32, i32
  }
  func.func @transform_3(%arg0: i32) -> (i32, i32) {
    %c0_i32 = arith.constant 0 : i32
    %c0_i32_0 = arith.constant 0 : i32
    return %arg0, %c0_i32 : i32, i32
  }
}

</mosaic_0001>

<sc_bundles>
// kernel: kernel.4.cloned.1.call-start
scs
__scs_entry_jumppad:
0x0: {  	(pc) =	sbr.rel $0x88, $3  }
0x1: {  	(tag) =	ssettag $0x0;
	lr =	simm.s32 $0x1  }
0x2: {  	[smem:$0x3F9D] =	sst lr;
	_ =	strace $0xD0000000  }
0x3: {  	_ = 	snop  }
0x4: {  	_ = 	snop  }
0x5: {  	_ = 	snop  }
0x6: {  	_ = 	snop  }
0x7: {  	_ = 	snop  }
__scs_overlays_trampoline_lowered:
0x8: {  	[smem:$0x3FAC] =	sst s0  }
0x9: {  	[smem:$0x3FAD] =	sst s1  }
0xa: {  	[smem:$0x3FAE] =	sst s2  }
0xb: {  	[smem:$0x3FAF] =	sst s3  }
0xc: {  	[smem:$0x3FB0] =	sst s4  }
0xd: {  	[smem:$0x3FB1] =	sst s5  }
0xe: {  	[smem:$0x3FB2] =	sst s6  }
0xf: {  	[smem:$0x3FB3] =	sst s7  }
0x10: {  	[smem:$0x3FB4] =	sst s8  }
0x11: {  	[smem:$0x3FB5] =	sst s9;
	s0 =	simm.s32 @!p0 $0x0  }
0x12: {  	s1 =	sld [smem:$0x3F9B];
	s0 =	simm.s32 @p0 $0x1  }
0x13: {  	[smem:$0x3FB6] =	sst s0;
	s0 =	simm.s32 @!p1 $0x0  }
0x14: {  	s2 =	sld [smem:$0x3F9A];
	s0 =	simm.s32 @p1 $0x1  }
0x15: {  	[smem:$0x3FB7] =	sst s0;
	s0 =	simm.s32 @!p2 $0x0  }
0x16: {  	s3 =	sld [smem:$0x3FDB];
	s0 =	simm.s32 @p2 $0x1  }
0x17: {  	s4 =	simm.s32 $0x1BF5;
	[smem:$0x3FB9] =	sst s0  }
0x18: {  	s0 =	sld [smem:$0x3F9C];
	_ =	swait.ge [sflag:s4], $0x0  }
0x19: {  	s7 =	sld [smem:$0x3F9D]  }
0x1a: {  	s8 =	sadd.s32 $0xFFFFE003, lr  }
0x1b: {  	s9 =	sadd.s32 $0xFFFFFEF7, lr;
	s5 =	simm.s32 $0xFFFFFFFF;
	p2 =	slt.u32 s8, $0xFFFFF086  }
0x1c: {  	p1 =	slt.u32 s9, $0xF7A;
	s5 =	simm.s32 @!p2 $0x0  }
0x1d: {  	s5 =	simm.s32 @p1 $0x1;
	p0 =	seq.s32 s7, s2  }
0x1e: {  	s7 =	smul.u32 @!p0 $0xF7A, s2;
	p2 =	seq.s32 @!p0 s5, $0x0  }
0x1f: {  	s9 =	smul.u32 $0xF7A, s1;
	s8 =	simm.s32 @!p0 $0x1BF5;
	p2 =	por !p2, p0  }
0x20: {  	[sflag:s8] =	ssyncset.s32 @!p0 $0xFFFFF086;
	s6 =	sadd.s32 @!p0 s3, s7;
	s7 =	simm.s32 @!p0 $0x108  }
0x21: {  	s3 =	sadd.s32 s3, s9;
	s6 =	sadd.s32 @!p0 $0x88, s6;
	s7 =	simm.s32 @p2 $0x1082  }
0x22: {  	[simem:s7], [sflag:s8] =	dma.local @!p0 [hbm:s6], $0xF7A  }
0x23: {  	s9 =	sor.u32 $0xD0000000, s2;
	s6 =	simm.s32 $0x108;
	_ =	swait.ge @!p0 [sflag:s8], $0x0  }
0x24: {  	s3 =	sadd.s32 $0x88, s3;
	s6 =	simm.s32 @!p1 $0x1082;
	[sflag:s4] =	ssyncset.s32 $0xFFFFF086  }
0x25: {  	[simem:s6], [sflag:s4] =	dma.local [hbm:s3], $0xF7A  }
0x26: {  	[smem:$0x3F9D] =	sst s1;
	(tag) =	ssettag s2;
	_ =	strace s9  }
0x27: {  	s1 =	sld [smem:$0x3FAD]  }
0x28: {  	s2 =	sld [smem:$0x3FAE]  }
0x29: {  	s4 =	sld [smem:$0x3FB0]  }
0x2a: {  	p0 =	seq.s32 s5, $0x0;
	s5 =	sld [smem:$0x3FB1]  }
0x2b: {  	s6 =	sld [smem:$0x3FB2]  }
0x2c: {  	s7 =	sld [smem:$0x3FB3]  }
0x2d: {  	s3 =	simm.s32 $0x108;
	s8 =	sld [smem:$0x3FB4]  }
0x2e: {  	s3 =	simm.s32 @!p0 $0x1082;
	s9 =	sld [smem:$0x3FB5]  }
0x2f: {  	lr =	sadd.s32 s0, s3;
	s0 =	sld [smem:$0x3FAC]  }
0x30: {  	s3 =	sld [smem:$0x3FAF]  }
0x31: {  	[smem:$0x3FB8] =	sst s10  }
0x32: {  	s10 =	sld [smem:$0x3FB6];
	_ =	sdelay $0x3  }
0x33: {  	p0 =	seq.s32 s10, $0x1;
	s10 =	sld [smem:$0x3FB8];
	_ =	sdelay $0x3  }
0x34: {  	[smem:$0x3FB8] =	sst s10  }
0x35: {  	s10 =	sld [smem:$0x3FB7];
	_ =	sdelay $0x3  }
0x36: {  	p1 =	seq.s32 s10, $0x1;
	s10 =	sld [smem:$0x3FB8];
	_ =	sdelay $0x3  }
0x37: {  	[smem:$0x3FB8] =	sst s10  }
0x38: {  	s10 =	sld [smem:$0x3FB9]  }
0x39: {  	_ = 	snop;
	(pc) =	sbr.ind lr, $3  }
0x3a: {  	_ = 	snop  }
0x3b: {  	_ = 	snop  }
0x3c: {  	p2 =	seq.s32 s10, $0x1;
	s10 =	sld [smem:$0x3FB8]  }
0x3d: {  	_ =	shalt  }
0x3e: {  	_ =	shalt  }
0x3f: {  	_ =	shalt  }
0x40: {  	_ =	shalt  }
0x41: {  	_ =	shalt  }
0x42: {  	_ =	shalt  }
0x43: {  	_ =	shalt  }
0x44: {  	_ =	shalt  }
0x45: {  	_ =	shalt  }
0x46: {  	_ =	shalt  }
0x47: {  	_ =	shalt  }
0x48: {  	_ =	shalt  }
0x49: {  	_ =	shalt  }
0x4a: {  	_ =	shalt  }
0x4b: {  	_ =	shalt  }
0x4c: {  	_ =	shalt  }
0x4d: {  	_ =	shalt  }
0x4e: {  	_ =	shalt  }
0x4f: {  	_ =	shalt  }
0x50: {  	_ =	shalt  }
0x51: {  	_ =	shalt  }
0x52: {  	_ =	shalt  }
0x53: {  	_ =	shalt  }
0x54: {  	_ =	shalt  }
0x55: {  	_ =	shalt  }
0x56: {  	_ =	shalt  }
0x57: {  	_ =	shalt  }
0x58: {  	_ =	shalt  }
0x59: {  	_ =	shalt  }
0x5a: {  	_ =	shalt  }
0x5b: {  	_ =	shalt  }
0x5c: {  	_ =	shalt  }
0x5d: {  	_ =	shalt  }
0x5e: {  	_ =	shalt  }
0x5f: {  	_ =	shalt  }
0x60: {  	_ =	shalt  }
0x61: {  	_ =	shalt  }
0x62: {  	_ =	shalt  }
0x63: {  	_ =	shalt  }
0x64: {  	_ =	shalt  }
0x65: {  	_ =	shalt  }
0x66: {  	_ =	shalt  }
0x67: {  	_ =	shalt  }
0x68: {  	_ =	shalt  }
0x69: {  	_ =	shalt  }
0x6a: {  	_ =	shalt  }
0x6b: {  	_ =	shalt  }
0x6c: {  	_ =	shalt  }
0x6d: {  	_ =	shalt  }
0x6e: {  	_ =	shalt  }
0x6f: {  	_ =	shalt  }
0x70: {  	_ =	shalt  }
0x71: {  	_ =	shalt  }
0x72: {  	_ =	shalt  }
0x73: {  	_ =	shalt  }
0x74: {  	_ =	shalt  }
0x75: {  	_ =	shalt  }
0x76: {  	_ =	shalt  }
0x77: {  	_ =	shalt  }
0x78: {  	_ =	shalt  }
0x79: {  	_ =	shalt  }
0x7a: {  	_ =	shalt  }
0x7b: {  	_ =	shalt  }
0x7c: {  	_ =	shalt  }
0x7d: {  	_ =	shalt  }
0x7e: {  	_ =	shalt  }
0x7f: {  	_ =	shalt  }
0x80: {  	_ =	shalt  }
0x81: {  	_ =	shalt  }
0x82: {  	_ =	shalt  }
0x83: {  	_ =	shalt  }
0x84: {  	_ =	shalt  }
0x85: {  	_ =	shalt  }
0x86: {  	_ =	shalt  }
0x87: {  	_ =	shalt  }
.Lfunc_end0:
.L_simem_size_0:
called_computation_lowered:
.L_overlay_start_0:
0x88: {  	s2 =	sld [smem:$0x3FD9]  }
0x89: {  	s3 =	sld [smem:$0x3FFE];
	_ =	sdelay $0x1  }
0x8a: {  	s1 =	srdreg.scid  }
0x8b: {  	s0 =	sand.u32 $0x1, s1  }
0x8c: {  	s17 =	sshll.u32 s0, $0xA;
	s2 =	sadd.s32 s3, s2  }
0x8d: {  	s2 =	sadd.s32 s2, s17  }
0x8e: {  	[smem:$0x3FC4] =	sst s2  }
0x8f: {  	_ = 	snop  }
0x90: {  	s2 =	sld [smem:$0x3FC9]  }
0x91: {  	s18 =	sld [smem:$0x3FD0];
	(tm) =	ssettm $0x1  }
0x92: {  	s4 =	sld [smem:$0x3FFB];
	_ =	sdelay $0x3  }
0x93: {  	_ =	strace s4  }
0x94: {  	s4 =	sld [smem:$0x3FFC];
	_ =	sdelay $0x3  }
0x95: {  	_ =	strace s4  }
0x96: {  	s4 =	sld [smem:$0x3FFD];
	_ =	sdelay $0x3  }
0x97: {  	_ =	strace s4  }
0x98: {  	_ =	strace $0x8FFFFFFF  }
0x99: {  	s19 =	sld [smem:$0x3FDB];
	_ =	sdelay $0x1  }
0x9a: {  	s5 =	simm.s32 $_scs_section_size  }
0x9b: {  	s6 =	simm.s32 $_size__tile_overlayer_lowered;
	s7 =	simm.s32 $_tile_overlayer_lowered  }
0x9c: {  	s22 =	simm.s32 $0x1BFF;
	s21 =	sshll.u32 s7, $0x1;
	s4 =	sadd.s32 s5, s19  }
0x9d: {  	s8 =	simm.s32 $0x0;
	s20 =	sshll.u32 s6, $0x1;
	s6 =	sadd.s32 s21, s4  }
0x9e: {  	[timem:s8], [sflag:s22] =	dma.local [hbm:s6], s20  }
0x9f: {  	_ =	swait.ge [sflag:s22], s20  }
0xa0: {  	s5 =	ssub.s32 $0x0, s20;
	[sflag:s22] =	ssyncset.done $0x0  }
0xa1: {  	[sflag:s22] =	ssyncadd.s32 s5;
	_ =	sdelay $0x1  }
0xa2: {  	s23 =	simm.s32 $0x1B8B  }
0xa3: {  	_ =	swait.ge [sflag:s23], $0x1  }
0xa4: {  	[sflag:s23] =	ssyncset.done $0x0  }
0xa5: {  	s25 =	simm.s32 $0x1B8E;
	s24 =	sld [smem:$0x3FFE];
	[sflag:s23] =	ssyncadd.s32 $0xFFFFFFFF  }
0xa6: {  	s26 =	simm.s32 $execute0_lowered;
	[smem:$0x3FD2] =	sst s25  }
0xa7: {  	s6 =	sshll.u32 s26, $0x1;
	_ =	strace $0x80000046;
	[dreg:$0x1] =	wrdreg $0xFFFFFFFF  }
0xa8: {  	s28 =	simm.s32 $_size_execute0_lowered;
	s4 =	sadd.s32 s4, s6;
	[dreg:$0x0] =	wrdreg $0x0  }
0xa9: {  	s6 =	sshll.u32 s28, $0x1;
	[dreg:$0x2] =	wrdreg s4  }
0xaa: {  	[dreg:$0x3] =	wrdreg s6  }
0xab: {  	[dreg:$0x4] =	wrdreg $0xC0  }
0xac: {  	_ =	task [dreg:s8], $0x5FFFF  }
0xad: {  	[dreg:$0x1] =	wrdreg $0xFFFFFFFF  }
0xae: {  	[dreg:$0x0] =	wrdreg $0x60  }
0xaf: {  	[dreg:$0x2] =	wrdreg s2  }
0xb0: {  	[dreg:$0x3] =	wrdreg s24  }
0xb1: {  	[dreg:$0x4] =	wrdreg s18  }
0xb2: {  	[dreg:$0x5] =	wrdreg $0x9  }
0xb3: {  	_ =	task.clear_ibuf [dreg:s8], $0x6FFFF;
	_ =	strace $0x90000046  }
0xb4: {  	s29 =	simm.s32 $0x9;
	_ =	strace $0x80000048  }
0xb5: {  	_ =	swait.ge [sflag:s29], $0x1  }
0xb6: {  	[sflag:s29] =	ssyncadd.s32 $0xFFFFFFFF  }
0xb7: {  	_ =	strace $0x90000048  }
0xb8: {  	_ =	sfence  }
0xb9: {  	s30 =	sld [smem:$0x0];
	_ =	sdelay $0x2  }
0xba: {  	s31 =	sshll.u32 s1, $0xD;
	s1 =	sshrl.u32 s1, $0x2  }
0xbb: {  	s3 =	sand.u32 $0x4000, s31;
	s1 =	sadd.s32 s1, s30  }
0xbc: {  	s0 =	sor.u32 s3, s0;
	s1 =	sshll.u32 s1, $0x11  }
0xbd: {  	s0 =	sor.u32 s1, s0  }
0xbe: {  	s0 =	sadd.s32 $0x8F2B, s0  }
0xbf: {  	[sflag:s0] =	ssyncadd.remote.s32 $0x1  }
0xc0: {  	_ =	sfence.sel $0xFFFF  }
0xc1: {  	[dreg:$0x0] =	wrdreg $0xFFFFFFFF;
	(pc) =	sbr.abs _section_cstart, $3  }
0xc2: {  	[dreg:$0x1] =	wrdreg $0xFFFFFFFF  }
0xc3: {  	_ =	task.clear_ibuf [dreg:s8], $0x2FFFF;
	_ =	strace $0x9FFFFFFF  }
0xc4: {  	(tm) =	ssettm $0x7FFFFFFF  }
0xc5: {  	_ =	shalt  }
tec
execute0_lowered:
.L_overlay_start_1:
0x0: {  	(tag) =	ssettag $0x1  }
0x1: {  	s4 =	rddreg [dreg:$0x0]  }
0x2: {  	s2 =	rddreg [dreg:$0x1]  }
0x3: {  	s5 =	rddreg [dreg:$0x2]  }
0x4: {  	s0 =	rddreg [dreg:$0x3]  }
0x5: {  	s1 =	simm.s32 $0x0;
	s6 =	srdreg.scid;
	s10 =	simm.s32 $0x400  }
0x6: {  	s11 =	simm.s32 $0x280;
	s12 =	simm.s32 $0x4400;
	s13 =	simm.s32 $0x300  }
0x7: {  	s14 =	simm.s32 $0x8400;
	s15 =	simm.s32 $0x380;
	s16 =	simm.s32 $0xC400  }
0x8: {  	s17 =	simm.s32 $0x1;
	s18 =	simm.s32 $0x10400;
	s19 =	simm.s32 $0x0  }
0x9: {  	[smem:$0x7FF] =	sst s1;
	s3 =	sadd.s32 $0x800, s2;
	s6 =	sand.u32 $0x1, s6  }
0xa: {  	s2 =	stileid.u32;
	_ =	strace $0x80000047;
	s7 =	ssub.s32 $0x2, s6  }
0xb: {  	s6 =	sshll.u32 s6, $0x6;
	s9 =	sshll.u32 s2, $0x7;
	s8 =	sshrl.u32 s7, $0x1  }
0xc: {  	s4 =	sadd.s32 s4, s6;
	s5 =	sadd.s32 s5, s6;
	s7 =	ssub.s32 s7, s8  }
0xd: {  	v0 =	vlaneseq.u32;
	s4 =	sadd.s32 s9, s4;
	s5 =	sadd.s32 s9, s5;
	s8 =	simm.s32 $0x80  }
0xe: {  	v0 =	vmul.u32 $0x80, v0;
	s9 =	simm.s32 $0x200;
	s6 =	smax.u32 s7, $0x1;
	s7 =	simm.s32 $0x2  }
.LBB2_1:
0xf: {  	[tilespmem:s1], [sflag:$0x2] =	stream.linear.gather [hbm4b:s4+s1], $0x200, $0x38;
	[tilespmem:$0x10600] =	vst v63  }
0x10: {  	_ =	swait.ge [sflag:s7], $0x200  }
0x11: {  	[sflag:s7] =	ssyncset.done $0x0  }
0x12: {  	[sflag:s7] =	ssyncadd.s32 $0xFFFFFE00  }
0x13: {  	v1 =	vld [tilespmem:$0x0]  }
0x14: {  	v2 =	vld [tilespmem:$0x10]  }
0x15: {  	v3 =	vld [tilespmem:$0x20]  }
0x16: {  	v4 =	vld [tilespmem:$0x30]  }
0x17: {  	v5 =	vld [tilespmem:$0x40]  }
0x18: {  	v6 =	vld [tilespmem:$0x50];
	v1 =	vshra.s32 v1, $0x7  }
0x19: {  	[tilespmem:$0x200] =	vst v1;
	v1 =	vshra.s32 v2, $0x7;
	v2 =	vld [tilespmem:$0x60]  }
0x1a: {  	[tilespmem:$0x210] =	vst v1;
	v1 =	vshra.s32 v3, $0x7;
	v3 =	vld [tilespmem:$0x70]  }
0x1b: {  	v49 =	vld [tilespmem:$0x80];
	[tilespmem:$0x220] =	vst v1;
	v1 =	vshra.s32 v4, $0x7  }
0x1c: {  	v50 =	vld [tilespmem:$0x90];
	[tilespmem:$0x230] =	vst v1;
	v1 =	vshra.s32 v5, $0x7  }
0x1d: {  	v51 =	vld [tilespmem:$0xA0];
	[tilespmem:$0x240] =	vst v1;
	v1 =	vshra.s32 v6, $0x7  }
0x1e: {  	[tilespmem:$0x250] =	vst v1;
	v1 =	vshra.s32 v2, $0x7;
	v2 =	vld [tilespmem:$0xB0]  }
0x1f: {  	[tilespmem:$0x260] =	vst v1;
	v1 =	vshra.s32 v3, $0x7;
	v3 =	vld [tilespmem:$0xC0]  }
0x20: {  	v52 =	vld [tilespmem:$0xD0];
	[tilespmem:$0x270] =	vst v1;
	v1 =	vshra.s32 v49, $0x7  }
0x21: {  	v53 =	vld [tilespmem:$0xE0];
	[tilespmem:$0x280] =	vst v1;
	v1 =	vshra.s32 v50, $0x7  }
0x22: {  	v54 =	vld [tilespmem:$0xF0];
	[tilespmem:$0x290] =	vst v1;
	v1 =	vshra.s32 v51, $0x7  }
0x23: {  	[tilespmem:$0x2A0] =	vst v1;
	v1 =	vshra.s32 v2, $0x7;
	v2 =	vld [tilespmem:$0x100]  }
0x24: {  	[tilespmem:$0x2B0] =	vst v1;
	v1 =	vshra.s32 v3, $0x7;
	v3 =	vld [tilespmem:$0x110]  }
0x25: {  	v55 =	vld [tilespmem:$0x120];
	[tilespmem:$0x2C0] =	vst v1;
	v1 =	vshra.s32 v52, $0x7  }
0x26: {  	v56 =	vld [tilespmem:$0x130];
	[tilespmem:$0x2D0] =	vst v1;
	v1 =	vshra.s32 v53, $0x7  }
0x27: {  	v57 =	vld [tilespmem:$0x140];
	[tilespmem:$0x2E0] =	vst v1;
	v1 =	vshra.s32 v54, $0x7  }
0x28: {  	[tilespmem:$0x2F0] =	vst v1;
	v1 =	vshra.s32 v2, $0x7;
	v2 =	vld [tilespmem:$0x150]  }
0x29: {  	[tilespmem:$0x300] =	vst v1;
	v1 =	vshra.s32 v3, $0x7;
	v3 =	vld [tilespmem:$0x160]  }
0x2a: {  	v58 =	vld [tilespmem:$0x170];
	[tilespmem:$0x310] =	vst v1;
	v1 =	vshra.s32 v55, $0x7  }
0x2b: {  	v59 =	vld [tilespmem:$0x180];
	[tilespmem:$0x320] =	vst v1;
	v1 =	vshra.s32 v56, $0x7  }
0x2c: {  	v60 =	vld [tilespmem:$0x190];
	[tilespmem:$0x330] =	vst v1;
	v1 =	vshra.s32 v57, $0x7  }
0x2d: {  	[tilespmem:$0x340] =	vst v1;
	v1 =	vshra.s32 v2, $0x7;
	v2 =	vld [tilespmem:$0x1A0]  }
0x2e: {  	[tilespmem:$0x350] =	vst v1;
	v1 =	vshra.s32 v3, $0x7;
	v3 =	vld [tilespmem:$0x1B0]  }
0x2f: {  	v61 =	vld [tilespmem:$0x1C0];
	[tilespmem:$0x360] =	vst v1;
	v1 =	vshra.s32 v58, $0x7  }
0x30: {  	v62 =	vld [tilespmem:$0x1D0];
	[tilespmem:$0x370] =	vst v1;
	v1 =	vshra.s32 v59, $0x7  }
0x31: {  	v63 =	vld [tilespmem:$0x1E0];
	[tilespmem:$0x380] =	vst v1;
	v1 =	vshra.s32 v60, $0x7  }
0x32: {  	[tilespmem:$0x390] =	vst v1;
	v1 =	vshra.s32 v2, $0x7;
	v2 =	vld [tilespmem:$0x1F0]  }
0x33: {  	[tilespmem:$0x3A0] =	vst v1;
	v1 =	vshra.s32 v3, $0x7  }
0x34: {  	[tilespmem:$0x3B0] =	vst v1;
	v1 =	vshra.s32 v61, $0x7  }
0x35: {  	[tilespmem:$0x3C0] =	vst v1;
	v1 =	vshra.s32 v62, $0x7  }
0x36: {  	[tilespmem:$0x3D0] =	vst v1;
	v1 =	vshra.s32 v63, $0x7  }
0x37: {  	[tilespmem:$0x3E0] =	vst v1;
	v1 =	vshra.s32 v2, $0x7  }
0x38: {  	[tilespmem:$0x3F0] =	vst v1  }
0x39: {  	[tilespmem:s10], [sflag:$0x1] =	stream.indirect.gather [hbm4b:s3+s8], $0x80, s9, s8, $0xb8;
	[tilespmem:$0x10600] =	vst v63  }
0x3a: {  	_ = 	snop  }
0x3b: {  	[tilespmem:s12], [sflag:$0x1] =	stream.indirect.gather [hbm4b:s3+s8], $0x80, s11, s8, $0xb8;
	[tilespmem:$0x10600] =	vst v63  }
0x3c: {  	_ = 	snop  }
0x3d: {  	[tilespmem:s14], [sflag:$0x1] =	stream.indirect.gather [hbm4b:s3+s8], $0x80, s13, s8, $0xb8;
	[tilespmem:$0x10600] =	vst v63  }
0x3e: {  	_ = 	snop  }
0x3f: {  	[tilespmem:s16], [sflag:$0x1] =	stream.indirect.gather [hbm4b:s3+s8], $0x80, s15, s8, $0xb8;
	[tilespmem:$0x10600] =	vst v63  }
0x40: {  	_ =	swait.ge [sflag:s17], $0x4000  }
0x41: {  	[sflag:s17] =	ssyncset.done $0x0  }
0x42: {  	[sflag:s17] =	ssyncadd.s32 $0xFFFFC000  }
0x43: {  	_ =	swait.ge [sflag:s17], $0x4000  }
0x44: {  	[sflag:s17] =	ssyncset.done $0x0  }
0x45: {  	[sflag:s17] =	ssyncadd.s32 $0xFFFFC000  }
0x46: {  	s20 =	simm.s32 $0x0;
	_ =	swait.ge [sflag:s17], $0x4000  }
0x47: {  	s21 =	sand.u32 $0xFFFFFF80, s20;
	[sflag:s17] =	ssyncset.done $0x0  }
0x48: {  	s21 =	ssub.s32 $0x0, s21;
	[sflag:s17] =	ssyncadd.s32 $0xFFFFC000  }
0x49: {  	s20 =	sand.u32 $0x3FFFFF80, s20;
	s21 =	sand.u32 $0xFFFFFF80, s21;
	_ =	swait.ge [sflag:s17], $0x4000  }
0x4a: {  	s22 =	sand.u32 $0x70, s1;
	s20 =	sadd.s32 s21, s20;
	[sflag:s17] =	ssyncset.done $0x0  }
0x4b: {  	s20 =	sor.u32 s22, s20;
	[sflag:s17] =	ssyncadd.s32 $0xFFFFC000  }
0x4c: {  	v1 =	vld [tilespmem:s20+$0x0];
	_ =	sdelay $0x2  }
0x4d: {  	v2 =	vmov s1  }
0x4e: {  	v2 =	vshll.u32 v2, $0x7  }
0x4f: {  	v2 =	vor.u32 v0, v2;
	v1 =	vand.u32 $0x7F, v1  }
0x50: {  	v1 =	vor.u32 v2, v1;
	_ =	sdelay $0x4  }
0x51: {  	s29 =	simm.s32 $0x10;
	v1 =	vld.idx.msk [tilespmem:v1+s10+$0x0], $0xffff  }
0x52: {  	s30 =	sand.u32 $0xFFFFFF80, s29  }
0x53: {  	s31 =	ssub.s32 $0x10, s30  }
0x54: {  	s21 =	sand.u32 $0x3FFFFF80, s29;
	s22 =	sand.u32 $0xFFFFFF80, s31;
	s20 =	simm.s32 $0x10  }
0x55: {  	s21 =	sadd.s32 s22, s21;
	s23 =	sand.u32 $0x70, s20  }
0x56: {  	s21 =	sor.u32 s23, s21;
	[tilespmem:s18+$0x0] =	vst v1  }
0x57: {  	v1 =	vld [tilespmem:s21+$0x0];
	_ =	sdelay $0x2  }
0x58: {  	v2 =	vmov s20  }
0x59: {  	v2 =	vshll.u32 v2, $0x7  }
0x5a: {  	v2 =	vor.u32 v0, v2;
	v1 =	vand.u32 $0x7F, v1  }
0x5b: {  	v1 =	vor.u32 v2, v1;
	_ =	sdelay $0x4  }
0x5c: {  	s22 =	simm.s32 $0x3;
	s23 =	simm.s32 $0x20;
	s21 =	simm.s32 $0x10400;
	v1 =	vld.idx.msk [tilespmem:v1+s10+$0x0], $0xffff  }
.LBB2_2:
0x5d: {  	p0 =	sne.s32 s22, $0x1F;
	s24 =	sand.u32 $0xFFFFFF80, s23;
	s20 =	sadd.s32 $0x10, s20  }
0x5e: {  	s24 =	ssub.s32 s20, s24  }
0x5f: {  	s23 =	sand.u32 $0x3FFFFF80, s23;
	s24 =	sand.u32 $0xFFFFFF80, s24  }
0x60: {  	s21 =	sadd.s32 $0x10, s21;
	s25 =	sand.u32 $0x70, s20;
	s23 =	sadd.s32 s24, s23  }
0x61: {  	s23 =	sor.u32 s25, s23;
	[tilespmem:s21+$0x0] =	vst v1  }
0x62: {  	v1 =	vld [tilespmem:s23+$0x0];
	_ =	sdelay $0x2  }
0x63: {  	v2 =	vmov s20  }
0x64: {  	v2 =	vshll.u32 v2, $0x7  }
0x65: {  	v2 =	vor.u32 v0, v2;
	v1 =	vand.u32 $0x7F, v1  }
0x66: {  	v1 =	vor.u32 v2, v1;
	_ =	sdelay $0x1  }
.Ltmp0:
0x67: {  	(pc) =	sbr.rel @p0 .LBB2_2-.Ltmp0, $3  }
0x68: {  	_ =	sdelay $0x1  }
0x69: {  	v1 =	vld.idx.msk [tilespmem:v1+s10+$0x0], $0xffff  }
0x6a: {  	s23 =	sshll.u32 s22, $0x4;
	s22 =	sadd.s32 $0x1, s22  }
0x6b: {  	s22 =	sand.u32 $0xFFFFFF80, s23;
	s20 =	sadd.s32 $0x10, s20  }
0x6c: {  	s22 =	ssub.s32 s20, s22  }
0x6d: {  	s30 =	sand.u32 $0x3FFFFF80, s23;
	s22 =	sand.u32 $0xFFFFFF80, s22  }
0x6e: {  	s21 =	sadd.s32 $0x10, s21;
	s24 =	sand.u32 $0x70, s20;
	s22 =	sadd.s32 s22, s30  }
0x6f: {  	[tilespmem:s21+$0x0] =	vst v1;
	s22 =	sor.u32 s24, s22  }
0x70: {  	v1 =	vld [tilespmem:s22+$0x0];
	_ =	sdelay $0x2  }
0x71: {  	v2 =	vmov s20  }
0x72: {  	v2 =	vshll.u32 v2, $0x7  }
0x73: {  	v2 =	vor.u32 v0, v2;
	v1 =	vand.u32 $0x7F, v1  }
0x74: {  	v1 =	vor.u32 v2, v1;
	_ =	sdelay $0x4  }
0x75: {  	v1 =	vld.idx.msk [tilespmem:v1+s10+$0x0], $0xffff;
	_ =	sdelay $0x2  }
0x76: {  	s19 =	sadd.s32 $0x1, s19  }
0x77: {  	s31 =	sadd.s32 $0x10, s21;
	p0 =	sne.s32 s19, s6  }
.Ltmp1:
0x78: {  	[tilespmem:s31+$0x0] =	vst v1;
	(pc) =	sbr.rel @p0 .LBB2_1-.Ltmp1, $4  }
0x79: {  	[hbm4b:s5+s1] =	stream.linear.scatter [tilespmem:s18], [sflag:$0x2], $0x200, $0x38;
	[tilespmem:$0x10600] =	vst v63  }
0x7a: {  	_ =	swait.ge [sflag:s7], $0x200  }
0x7b: {  	[sflag:s7] =	ssyncset.done $0x0  }
0x7c: {  	[sflag:s7] =	ssyncadd.s32 $0xFFFFFE00  }
0x7d: {  	_ =	sfence.sel $0x180000  }
0x7e: {  	[bflag:$0x0] =	sbarrier.arrive $0xFFFF  }
0x7f: {  	p0 =	sne.s32 s2, $0x0;
	_ =	strace $0x90000047  }
0x80: {  	s0 =	sadd.s32 @!p0 $0x100000, s0;
	[bflag:$0x2] =	sbarrier.arrive $0xFFFF  }
0x81: {  	[sflag:s0] =	ssyncadd.tile.s32 @!p0 $0x1;
	_ =	shalt  }
.Lfunc_end2:
_tile_overlayer_lowered:
.L_overlay_start_2:
0x82: {  	(tag) =	ssettag $0x2  }
0x83: {  	s0 =	rddreg [dreg:$0x0];
	s2 =	stileid.u32  }
0x84: {  	s1 =	rddreg [dreg:$0x1];
	p0 =	sne.s32 s2, $0x0  }
0x85: {  	s3 =	rddreg [dreg:$0x2];
	[bflag:$0x3] =	sbarrier.arrive $0xFFFF;
	s2 =	simm.s32 @!p0 $0x1C02  }
0x86: {  	[timem:s3], [sflag:s2] =	dma.local @!p0 [hbm:s0], s1  }
0x87: {  	s0 =	simm.s32 @!p0 $0x2  }
0x88: {  	_ =	swait.ge @!p0 [sflag:s0], s1  }
0x89: {  	s1 =	ssub.s32 @!p0 $0x0, s1;
	[sflag:s0] =	ssyncset.done @!p0 $0x0  }
0x8a: {  	[sflag:s0] =	ssyncadd.s32 @!p0 s1  }
0x8b: {  	[bflag:$0x3] =	sbarrier.arrive $0xFFFF  }
0x8c: {  	_ =	shalt  }

</sc_bundles>
